<compile_context>
chip_gen: v7x
topology: tpu7x:2x2x1
jax: 0.10.2.dev20260603
libtpu: 0.0.44.dev20260713+nightly
codegen_flags: <defaults>
</compile_context>

<pallas_src>
import functools

import jax
import jax.numpy as jnp
import numpy as np
from jax import lax
from jax.experimental import pallas as pl
from jax.experimental.pallas import tpu as pltpu
from jax.experimental.pallas import tpu_sc as plsc

_CHUNK = 128
_NW = 32


def _gather_body(n_chunks, table_hbm, idx_hbm, oidx_hbm, out_hbm,
                 idx_v, oidx_v, rows_v, sem0, sem1):
    nc = plsc.get_sparse_core_info().num_cores
    wid = lax.axis_index("s") * nc + lax.axis_index("c")
    pltpu.sync_copy(idx_hbm.at[wid], idx_v)
    pltpu.sync_copy(oidx_hbm.at[wid], oidx_v)

    def gather(j, buf, sem):
        pltpu.make_async_copy(
            table_hbm.at[idx_v.at[j]], rows_v.at[buf], sem).start()

    def wait(j, buf, sem):
        pltpu.make_async_copy(
            table_hbm.at[idx_v.at[j]], rows_v.at[buf], sem).wait()

    def scatter(j, buf):
        pltpu.sync_copy(rows_v.at[buf], out_hbm.at[oidx_v.at[j]])

    gather(0, 0, sem0)
    gather(1, 1, sem1)

    def body(g, carry):
        c0 = 2 * g
        wait(c0, 0, sem0)
        scatter(c0, 0)

        @pl.when(c0 + 2 < n_chunks)
        def _():
            gather(c0 + 2, 0, sem0)

        wait(c0 + 1, 1, sem1)
        scatter(c0 + 1, 1)

        @pl.when(c0 + 3 < n_chunks)
        def _():
            gather(c0 + 3, 1, sem1)

        return carry

    lax.fori_loop(0, n_chunks // 2, body, 0)


def _sc_gather(table, idx, oidx, n_rows, E):
    nw, n_chunks, _ = idx.shape
    mesh = plsc.VectorSubcoreMesh(core_axis_name="c", subcore_axis_name="s")
    return pl.kernel(
        functools.partial(_gather_body, n_chunks),
        out_type=jax.ShapeDtypeStruct((n_rows, E), jnp.float32),
        mesh=mesh,
        scratch_types=[
            pltpu.VMEM((n_chunks, _CHUNK), jnp.int32),
            pltpu.VMEM((n_chunks, _CHUNK), jnp.int32),
            pltpu.VMEM((2, _CHUNK, E), jnp.float32),
            pltpu.SemaphoreType.DMA,
            pltpu.SemaphoreType.DMA,
        ],
        compiler_params=pltpu.CompilerParams(use_tc_tiling_on_sc=False),
    )(table, idx, oidx)


@functools.lru_cache(maxsize=None)
def _time_major_oidx(B, t0, t1):
    dt = t1 - t0
    j = np.arange(B * dt, dtype=np.int64)
    b, tl = j // dt, j % dt
    oidx = (2 * ((tl // 2) * B + b) + tl % 2).astype(np.int32)
    return oidx.reshape(_NW, (B * dt) // (_NW * _CHUNK), _CHUNK)


def _permute_body(n_chunks_a, n_chunks_b, ya_hbm, yb_hbm, oa_hbm, ob_hbm,
                  out_hbm, oa_v, ob_v, rows_v, sem0, sem1):
    nc = plsc.get_sparse_core_info().num_cores
    wid = lax.axis_index("s") * nc + lax.axis_index("c")
    pltpu.sync_copy(oa_hbm.at[wid], oa_v)
    pltpu.sync_copy(ob_hbm.at[wid], ob_v)

    def run(y_hbm, oidx_v, n_chunks):
        base = wid * n_chunks * _CHUNK

        def load(j, buf, sem):
            pltpu.make_async_copy(
                y_hbm.at[pl.ds(base + j * _CHUNK, _CHUNK)], rows_v.at[buf],
                sem).start()

        def wait(j, buf, sem):
            pltpu.make_async_copy(
                y_hbm.at[pl.ds(base + j * _CHUNK, _CHUNK)], rows_v.at[buf],
                sem).wait()

        def scatter(j, buf):
            pltpu.sync_copy(rows_v.at[buf], out_hbm.at[oidx_v.at[j]])

        load(0, 0, sem0)
        load(1, 1, sem1)

        def body(g, carry):
            c0 = 2 * g
            wait(c0, 0, sem0)
            scatter(c0, 0)

            @pl.when(c0 + 2 < n_chunks)
            def _():
                load(c0 + 2, 0, sem0)

            wait(c0 + 1, 1, sem1)
            scatter(c0 + 1, 1)

            @pl.when(c0 + 3 < n_chunks)
            def _():
                load(c0 + 3, 1, sem1)

            return carry

        lax.fori_loop(0, n_chunks // 2, body, 0)

    run(ya_hbm, oa_v, n_chunks_a)
    run(yb_hbm, ob_v, n_chunks_b)


def _sc_permute(ya, yb, oidx_a, oidx_b, n_rows, A):
    nw, ca, _ = oidx_a.shape
    cb = oidx_b.shape[1]
    mesh = plsc.VectorSubcoreMesh(core_axis_name="c", subcore_axis_name="s")
    return pl.kernel(
        functools.partial(_permute_body, ca, cb),
        out_type=jax.ShapeDtypeStruct((n_rows, A), jnp.float32),
        mesh=mesh,
        scratch_types=[
            pltpu.VMEM((ca, _CHUNK), jnp.int32),
            pltpu.VMEM((cb, _CHUNK), jnp.int32),
            pltpu.VMEM((2, _CHUNK, A), jnp.float32),
            pltpu.SemaphoreType.DMA,
            pltpu.SemaphoreType.DMA,
        ],
        compiler_params=pltpu.CompilerParams(use_tc_tiling_on_sc=False),
    )(ya, yb, oidx_a, oidx_b)


@functools.lru_cache(maxsize=None)
def _unscramble_oidx(B, T, r0, r1):
    r = np.arange(r0, r1, dtype=np.int64)
    b, t = r // T, r % T
    oidx = (t * B + b).astype(np.int32)
    return oidx.reshape(_NW, (r1 - r0) // (_NW * _CHUNK), _CHUNK)


def _rnn_step(e_ref, sin_ref, w1e_ref, w1o_ref, whh_ref, bh_ref, wun_ref,
              bun_ref, y_ref, sout_ref):
    tp = pl.program_id(0)

    @pl.when(tp == 0)
    def _():
        sout_ref[...] = sin_ref[...]

    ep = e_ref[0]
    s = sout_ref[...]
    bh = bh_ref[...]
    bun = bun_ref[...]
    whh = whh_ref[...]
    wun = wun_ref[...]
    s = jnp.tanh(jnp.dot(ep, w1e_ref[...], preferred_element_type=jnp.float32)
                 + jnp.dot(s, whh, preferred_element_type=jnp.float32) + bh)
    y_ref[0, 0, 0] = (jnp.dot(s, wun, preferred_element_type=jnp.float32)
                      + bun)
    s = jnp.tanh(jnp.dot(ep, w1o_ref[...], preferred_element_type=jnp.float32)
                 + jnp.dot(s, whh, preferred_element_type=jnp.float32) + bh)
    sout_ref[...] = s
    y_ref[0, 1, 0] = (jnp.dot(s, wun, preferred_element_type=jnp.float32)
                      + bun)


def _rnn_unembed(e2, s_in, w1e, w1o, whh_t, bh, wun_t, bun, *,
                 interpret=False):
    TP, B, E2 = e2.shape
    E = E2 // 2
    A = wun_t.shape[1]
    return pl.pallas_call(
        _rnn_step,
        grid=(TP,),
        in_specs=[
            pl.BlockSpec((1, B, E2), lambda tp: (tp, 0, 0)),
            pl.BlockSpec((B, E), lambda tp: (0, 0)),
            pl.BlockSpec((E2, E), lambda tp: (0, 0)),
            pl.BlockSpec((E2, E), lambda tp: (0, 0)),
            pl.BlockSpec((E, E), lambda tp: (0, 0)),
            pl.BlockSpec((1, E), lambda tp: (0, 0)),
            pl.BlockSpec((E, A), lambda tp: (0, 0)),
            pl.BlockSpec((1, A), lambda tp: (0, 0)),
        ],
        out_specs=[
            pl.BlockSpec((1, 2, 1, B, A), lambda tp: (tp, 0, 0, 0, 0)),
            pl.BlockSpec((B, E), lambda tp: (0, 0)),
        ],
        out_shape=[
            jax.ShapeDtypeStruct((TP, 2, 1, B, A), jnp.float32),
            jax.ShapeDtypeStruct((B, E), jnp.float32),
        ],
        compiler_params=pltpu.CompilerParams(
            dimension_semantics=("arbitrary",),
        ),
        interpret=interpret,
    )(e2, s_in, w1e, w1o, whh_t, bh, wun_t, bun)


def kernel(x, trainable, embed_table, W_ih, W_hh, b_h, W_un, b_un):
    B, T = x.shape
    E = embed_table.shape[1]
    A = W_un.shape[0]
    n_rows = B * T
    t_split = 26

    def phase_gather(t0, t1):
        idx = x[:, t0:t1].reshape(_NW, (B * (t1 - t0)) // (_NW * _CHUNK),
                                  _CHUNK)
        oidx = jnp.asarray(_time_major_oidx(B, t0, t1))
        e = _sc_gather(embed_table, idx, oidx, B * (t1 - t0), E)
        return e.reshape((t1 - t0) // 2, B, 2 * E)

    e2_a = phase_gather(0, t_split)
    e2_b = phase_gather(t_split, T)

    zeros = jnp.zeros((E, E), jnp.float32)
    w1e = jnp.concatenate([W_ih.T, zeros], axis=0)
    w1o = jnp.concatenate([zeros, W_ih.T], axis=0)
    bh = b_h.reshape(1, E)
    bun = b_un.reshape(1, A)
    s0 = jnp.zeros((B, E), jnp.float32)
    y5_a, s_a = _rnn_unembed(e2_a, s0, w1e, w1o, W_hh.T, bh, W_un.T, bun)
    y5_b, _ = _rnn_unembed(e2_b, s_a, w1e, w1o, W_hh.T, bh, W_un.T, bun)
    ya = y5_a.reshape(B * t_split, A)
    yb = y5_b.reshape(B * (T - t_split), A)
    oq_a = jnp.asarray(_unscramble_oidx(B, T, 0, B * t_split))
    oq_b = jnp.asarray(_unscramble_oidx(B, T, B * t_split, n_rows))
    out_q = _sc_permute(ya, yb, oq_a, oq_b, n_rows, A)
    return jnp.transpose(out_q.reshape(T, B, A), (1, 0, 2))

# --- scband reference (transcript-rebuilt; emitter-appended) ---
"""Pipeline reference for scband-network-64879775973865 (READ-ONLY COPY).

The authoritative reference and input builder live on the scoring server;
editing this copy changes nothing except your own understanding.
"""

import jax, jax.numpy as jnp
import numpy as np

VOCAB = 100000
EMBED = 64
CONTEXT = 50
ANS = 128
BATCH = 4096


def setup_inputs(seed: int = 0) -> dict:
    key = jax.random.key(seed)
    ks = jax.random.split(key, 8)
    x = jax.random.randint(ks[0], (BATCH, CONTEXT), 0, VOCAB, dtype=jnp.int32)
    embed_table = jax.random.normal(ks[1], (VOCAB, EMBED), dtype=jnp.float32) * 0.02
    W_ih = jax.random.normal(ks[2], (EMBED, EMBED), dtype=jnp.float32) * (1.0 / np.sqrt(EMBED))
    W_hh = jax.random.normal(ks[3], (EMBED, EMBED), dtype=jnp.float32) * (1.0 / np.sqrt(EMBED))
    b_h = jnp.zeros((EMBED,), dtype=jnp.float32)
    W_un = jax.random.normal(ks[4], (ANS, EMBED), dtype=jnp.float32) * (1.0 / np.sqrt(EMBED))
    b_un = jnp.zeros((ANS,), dtype=jnp.float32)
    return {"x": x, "trainable": False, "embed_table": embed_table, "W_ih": W_ih, "W_hh": W_hh, "b_h": b_h, "W_un": W_un, "b_un": b_un}


def reference(x, trainable, embed_table, W_ih, W_hh, b_h, W_un, b_un):
    # embed lookup
    e = jnp.take(embed_table, x, axis=0)  # [B, T, E]
    # F.dropout with training=trainable; trainable=False => identity
    batch_sz = e.shape[0]
    # cell: vanilla tanh-RNN cell, s starts as None -> zeros
    s = jnp.zeros((batch_sz, W_hh.shape[0]), dtype=e.dtype)
    out = []
    for i in range(CONTEXT):
        s = jnp.tanh(e[:, i] @ W_ih.T + s @ W_hh.T + b_h)
        out.append(s)  # o = s
    cat = jnp.concatenate(out, axis=0)  # [T*B, E] (torch.cat along dim 0)
    y = cat @ W_un.T + b_un  # unembed Linear
    return y.reshape(batch_sz, CONTEXT, -1)

if __name__ == "__main__":
    import jax
    _d = setup_inputs()
    print(jax.jit(kernel)(*tuple(_d.values())))

</pallas_src>

<mosaic_0001>
#map = affine_map<(d0, d1) -> (0, 0)>
#map1 = affine_map<(d0, d1) -> (0, 0, 0)>
module attributes {stable_mosaic.version = 14 : i64} {
  func.func @_gather_body(%arg0: i32, %arg1: i32, %arg2: memref<100000x64xf32, #tpu.memory_space<hbm>>, %arg3: memref<32x24x128xi32, #tpu.memory_space<hbm>>, %arg4: memref<32x24x128xi32, #tpu.memory_space<hbm>>, %arg5: memref<98304x64xf32, #tpu.memory_space<hbm>>, %arg6: memref<24x128xi32, #tpu.memory_space<vmem>>, %arg7: memref<24x128xi32, #tpu.memory_space<vmem>>, %arg8: memref<2x128x64xf32, #tpu.memory_space<vmem>>, %arg9: memref<!tpu.dma_semaphore, #tpu.memory_space<semaphore_mem>>, %arg10: memref<!tpu.dma_semaphore, #tpu.memory_space<semaphore_mem>>) attributes {dimension_semantics = [#tpu.dimension_semantics<core_parallel>, #tpu.dimension_semantics<subcore_parallel>], iteration_bounds = array<i64: 2, 16>, scalar_prefetch = 0 : i64, scratch_operands = 5 : i64, tpu.core_type = #tpu.core_type<sc_vector_subcore>, window_params = [{transform_indices = #map}, {transform_indices = #map1}, {transform_indices = #map1}, {transform_indices = #map}]} {
    %mul3A = arith.constant 2 : i32
    %mul3A_0 = arith.muli %arg1, %mul3A : i32
    %add3A = arith.addi %mul3A_0, %arg0 : i32
    "tpu.region"() ({
      %run_scoped3A = tpu.sem_alloc : memref<!tpu.dma_semaphore, #tpu.memory_space<semaphore_mem>>
      %dma_start3A_29 = arith.constant 0 : i32
      %dma_start3A_30 = arith.constant 0 : i32
      %dma_start3A_31 = tpu.memref_slice %arg3[%add3A, %dma_start3A_29, %dma_start3A_30] : memref<32x24x128xi32, #tpu.memory_space<hbm>> -> memref<1x24x128xi32, #tpu.memory_space<hbm>>
      %dma_start3A_32 = tpu.memref_squeeze %dma_start3A_31 : memref<1x24x128xi32, #tpu.memory_space<hbm>> -> memref<24x128xi32, #tpu.memory_space<hbm>>
      %dma_start3A_33 = arith.constant 0 : i32
      %dma_start3A_34 = arith.constant 0 : i32
      %dma_start3A_35 = tpu.memref_slice %arg3[%add3A, %dma_start3A_33, %dma_start3A_34] : memref<32x24x128xi32, #tpu.memory_space<hbm>> -> memref<1x24x128xi32, #tpu.memory_space<hbm>>
      %dma_start3A_36 = tpu.memref_squeeze %dma_start3A_35 : memref<1x24x128xi32, #tpu.memory_space<hbm>> -> memref<24x128xi32, #tpu.memory_space<hbm>>
      tpu.enqueue_dma source(%dma_start3A_36 : memref<24x128xi32, #tpu.memory_space<hbm>>) target(%arg6 : memref<24x128xi32, #tpu.memory_space<vmem>>) target_semaphore(%run_scoped3A : memref<!tpu.dma_semaphore, #tpu.memory_space<semaphore_mem>>)
      %dma_wait3A = arith.constant 0 : i32
      %dma_wait3A_37 = arith.constant 0 : i32
      %dma_wait3A_38 = tpu.memref_slice %arg3[%add3A, %dma_wait3A, %dma_wait3A_37] : memref<32x24x128xi32, #tpu.memory_space<hbm>> -> memref<1x24x128xi32, #tpu.memory_space<hbm>>
      %dma_wait3A_39 = tpu.memref_squeeze %dma_wait3A_38 : memref<1x24x128xi32, #tpu.memory_space<hbm>> -> memref<24x128xi32, #tpu.memory_space<hbm>>
      %dma_wait3A_40 = arith.constant 0 : i32
      %dma_wait3A_41 = arith.constant 0 : i32
      %dma_wait3A_42 = tpu.memref_slice %arg3[%add3A, %dma_wait3A_40, %dma_wait3A_41] : memref<32x24x128xi32, #tpu.memory_space<hbm>> -> memref<1x24x128xi32, #tpu.memory_space<hbm>>
      %dma_wait3A_43 = tpu.memref_squeeze %dma_wait3A_42 : memref<1x24x128xi32, #tpu.memory_space<hbm>> -> memref<24x128xi32, #tpu.memory_space<hbm>>
      tpu.wait_dma2 semaphore(%run_scoped3A : memref<!tpu.dma_semaphore, #tpu.memory_space<semaphore_mem>>) src(%dma_wait3A_43 : memref<24x128xi32, #tpu.memory_space<hbm>>) dst(%arg6 : memref<24x128xi32, #tpu.memory_space<vmem>>)
      tpu.yield
    }) : () -> ()
    "tpu.region"() ({
      %run_scoped3A = tpu.sem_alloc : memref<!tpu.dma_semaphore, #tpu.memory_space<semaphore_mem>>
      %dma_start3A_29 = arith.constant 0 : i32
      %dma_start3A_30 = arith.constant 0 : i32
      %dma_start3A_31 = tpu.memref_slice %arg4[%add3A, %dma_start3A_29, %dma_start3A_30] : memref<32x24x128xi32, #tpu.memory_space<hbm>> -> memref<1x24x128xi32, #tpu.memory_space<hbm>>
      %dma_start3A_32 = tpu.memref_squeeze %dma_start3A_31 : memref<1x24x128xi32, #tpu.memory_space<hbm>> -> memref<24x128xi32, #tpu.memory_space<hbm>>
      %dma_start3A_33 = arith.constant 0 : i32
      %dma_start3A_34 = arith.constant 0 : i32
      %dma_start3A_35 = tpu.memref_slice %arg4[%add3A, %dma_start3A_33, %dma_start3A_34] : memref<32x24x128xi32, #tpu.memory_space<hbm>> -> memref<1x24x128xi32, #tpu.memory_space<hbm>>
      %dma_start3A_36 = tpu.memref_squeeze %dma_start3A_35 : memref<1x24x128xi32, #tpu.memory_space<hbm>> -> memref<24x128xi32, #tpu.memory_space<hbm>>
      tpu.enqueue_dma source(%dma_start3A_36 : memref<24x128xi32, #tpu.memory_space<hbm>>) target(%arg7 : memref<24x128xi32, #tpu.memory_space<vmem>>) target_semaphore(%run_scoped3A : memref<!tpu.dma_semaphore, #tpu.memory_space<semaphore_mem>>)
      %dma_wait3A = arith.constant 0 : i32
      %dma_wait3A_37 = arith.constant 0 : i32
      %dma_wait3A_38 = tpu.memref_slice %arg4[%add3A, %dma_wait3A, %dma_wait3A_37] : memref<32x24x128xi32, #tpu.memory_space<hbm>> -> memref<1x24x128xi32, #tpu.memory_space<hbm>>
      %dma_wait3A_39 = tpu.memref_squeeze %dma_wait3A_38 : memref<1x24x128xi32, #tpu.memory_space<hbm>> -> memref<24x128xi32, #tpu.memory_space<hbm>>
      %dma_wait3A_40 = arith.constant 0 : i32
      %dma_wait3A_41 = arith.constant 0 : i32
      %dma_wait3A_42 = tpu.memref_slice %arg4[%add3A, %dma_wait3A_40, %dma_wait3A_41] : memref<32x24x128xi32, #tpu.memory_space<hbm>> -> memref<1x24x128xi32, #tpu.memory_space<hbm>>
      %dma_wait3A_43 = tpu.memref_squeeze %dma_wait3A_42 : memref<1x24x128xi32, #tpu.memory_space<hbm>> -> memref<24x128xi32, #tpu.memory_space<hbm>>
      tpu.wait_dma2 semaphore(%run_scoped3A : memref<!tpu.dma_semaphore, #tpu.memory_space<semaphore_mem>>) src(%dma_wait3A_43 : memref<24x128xi32, #tpu.memory_space<hbm>>) dst(%arg7 : memref<24x128xi32, #tpu.memory_space<vmem>>)
      tpu.yield
    }) : () -> ()
    %dma_start3A = arith.constant 0 : i32
    %dma_start3A_1 = arith.constant 0 : i32
    %dma_start3A_2 = arith.constant 0 : i32
    %dma_start3A_3 = arith.constant 0 : i32
    %dma_start3A_4 = tpu.memref_slice %arg8[%dma_start3A_1, %dma_start3A_2, %dma_start3A_3] : memref<2x128x64xf32, #tpu.memory_space<vmem>> -> memref<1x128x64xf32, #tpu.memory_space<vmem>>
    %dma_start3A_5 = tpu.memref_squeeze %dma_start3A_4 : memref<1x128x64xf32, #tpu.memory_space<vmem>> -> memref<128x64xf32, #tpu.memory_space<vmem>>
    %dma_start3A_6 = arith.constant 0 : i32
    %dma_start3A_7 = tpu.memref_slice %arg6[%dma_start3A, %dma_start3A_6] : memref<24x128xi32, #tpu.memory_space<vmem>> -> memref<1x128xi32, #tpu.memory_space<vmem>>
    %dma_start3A_8 = tpu.memref_squeeze %dma_start3A_7 : memref<1x128xi32, #tpu.memory_space<vmem>> -> memref<128xi32, #tpu.memory_space<vmem>>
    %dma_start3A_9 = arith.constant 0 : i32
    %dma_start3A_10 = arith.constant 0 : i32
    %dma_start3A_11 = tpu.memref_slice %arg2[%dma_start3A_9, %dma_start3A_10] : memref<100000x64xf32, #tpu.memory_space<hbm>> -> memref<100000x64xf32, #tpu.memory_space<hbm>>
    tpu.enqueue_indirect_dma source(%dma_start3A_11 : memref<100000x64xf32, #tpu.memory_space<hbm>>) target(%dma_start3A_5 : memref<128x64xf32, #tpu.memory_space<vmem>>) offsets(%dma_start3A_8 : memref<128xi32, #tpu.memory_space<vmem>>) semaphore(%arg9 : memref<!tpu.dma_semaphore, #tpu.memory_space<semaphore_mem>>)
    %dma_start3A_12 = arith.constant 1 : i32
    %dma_start3A_13 = arith.constant 1 : i32
    %dma_start3A_14 = arith.constant 0 : i32
    %dma_start3A_15 = arith.constant 0 : i32
    %dma_start3A_16 = tpu.memref_slice %arg8[%dma_start3A_13, %dma_start3A_14, %dma_start3A_15] : memref<2x128x64xf32, #tpu.memory_space<vmem>> -> memref<1x128x64xf32, #tpu.memory_space<vmem>>
    %dma_start3A_17 = tpu.memref_squeeze %dma_start3A_16 : memref<1x128x64xf32, #tpu.memory_space<vmem>> -> memref<128x64xf32, #tpu.memory_space<vmem>>
    %dma_start3A_18 = arith.constant 0 : i32
    %dma_start3A_19 = tpu.memref_slice %arg6[%dma_start3A_12, %dma_start3A_18] : memref<24x128xi32, #tpu.memory_space<vmem>> -> memref<1x128xi32, #tpu.memory_space<vmem>>
    %dma_start3A_20 = tpu.memref_squeeze %dma_start3A_19 : memref<1x128xi32, #tpu.memory_space<vmem>> -> memref<128xi32, #tpu.memory_space<vmem>>
    %dma_start3A_21 = arith.constant 0 : i32
    %dma_start3A_22 = arith.constant 0 : i32
    %dma_start3A_23 = tpu.memref_slice %arg2[%dma_start3A_21, %dma_start3A_22] : memref<100000x64xf32, #tpu.memory_space<hbm>> -> memref<100000x64xf32, #tpu.memory_space<hbm>>
    tpu.enqueue_indirect_dma source(%dma_start3A_23 : memref<100000x64xf32, #tpu.memory_space<hbm>>) target(%dma_start3A_17 : memref<128x64xf32, #tpu.memory_space<vmem>>) offsets(%dma_start3A_20 : memref<128xi32, #tpu.memory_space<vmem>>) semaphore(%arg10 : memref<!tpu.dma_semaphore, #tpu.memory_space<semaphore_mem>>)
    %scan3A = arith.constant 0 : i32
    %scan3A_24 = arith.constant 0 : i32
    %scan3A_25 = arith.constant 12 : i32
    %scan3A_26 = arith.addi %scan3A_24, %scan3A_25 : i32
    %scan3A_27 = arith.constant 1 : i32
    scf.for %scan3A_29 = %scan3A_24 to %scan3A_26 step %scan3A_27  : i32 {
      %mul3A_30 = arith.constant 2 : i32
      %mul3A_31 = arith.muli %mul3A_30, %scan3A_29 : i32
      %dma_wait3A = arith.constant 0 : i32
      %dma_wait3A_32 = arith.constant 0 : i32
      %dma_wait3A_33 = arith.constant 0 : i32
      %dma_wait3A_34 = tpu.memref_slice %arg8[%dma_wait3A, %dma_wait3A_32, %dma_wait3A_33] : memref<2x128x64xf32, #tpu.memory_space<vmem>> -> memref<1x128x64xf32, #tpu.memory_space<vmem>>
      %dma_wait3A_35 = tpu.memref_squeeze %dma_wait3A_34 : memref<1x128x64xf32, #tpu.memory_space<vmem>> -> memref<128x64xf32, #tpu.memory_space<vmem>>
      %dma_wait3A_36 = arith.constant 0 : i32
      %dma_wait3A_37 = tpu.memref_slice %arg6[%mul3A_31, %dma_wait3A_36] : memref<24x128xi32, #tpu.memory_space<vmem>> -> memref<1x128xi32, #tpu.memory_space<vmem>>
      %dma_wait3A_38 = tpu.memref_squeeze %dma_wait3A_37 : memref<1x128xi32, #tpu.memory_space<vmem>> -> memref<128xi32, #tpu.memory_space<vmem>>
      %dma_wait3A_39 = arith.constant 0 : i32
      %dma_wait3A_40 = arith.constant 0 : i32
      %dma_wait3A_41 = tpu.memref_slice %arg2[%dma_wait3A_39, %dma_wait3A_40] : memref<100000x64xf32, #tpu.memory_space<hbm>> -> memref<100000x64xf32, #tpu.memory_space<hbm>>
      tpu.wait_indirect_dma semaphore(%arg9 : memref<!tpu.dma_semaphore, #tpu.memory_space<semaphore_mem>>) src(%dma_wait3A_41 : memref<100000x64xf32, #tpu.memory_space<hbm>>) dst(%dma_wait3A_35 : memref<128x64xf32, #tpu.memory_space<vmem>>)
      %run_scoped3A = arith.constant 0 : i32
      "tpu.region"() ({
        %run_scoped3A_69 = tpu.sem_alloc : memref<!tpu.dma_semaphore, #tpu.memory_space<semaphore_mem>>
        %dma_start3A_70 = arith.constant 0 : i32
        %dma_start3A_71 = arith.constant 0 : i32
        %dma_start3A_72 = tpu.memref_slice %arg8[%run_scoped3A, %dma_start3A_70, %dma_start3A_71] : memref<2x128x64xf32, #tpu.memory_space<vmem>> -> memref<1x128x64xf32, #tpu.memory_space<vmem>>
        %dma_start3A_73 = tpu.memref_squeeze %dma_start3A_72 : memref<1x128x64xf32, #tpu.memory_space<vmem>> -> memref<128x64xf32, #tpu.memory_space<vmem>>
        %dma_start3A_74 = arith.constant 0 : i32
        %dma_start3A_75 = tpu.memref_slice %arg7[%mul3A_31, %dma_start3A_74] : memref<24x128xi32, #tpu.memory_space<vmem>> -> memref<1x128xi32, #tpu.memory_space<vmem>>
        %dma_start3A_76 = tpu.memref_squeeze %dma_start3A_75 : memref<1x128xi32, #tpu.memory_space<vmem>> -> memref<128xi32, #tpu.memory_space<vmem>>
        %dma_start3A_77 = arith.constant 0 : i32
        %dma_start3A_78 = arith.constant 0 : i32
        %dma_start3A_79 = tpu.memref_slice %arg5[%dma_start3A_77, %dma_start3A_78] : memref<98304x64xf32, #tpu.memory_space<hbm>> -> memref<98304x64xf32, #tpu.memory_space<hbm>>
        tpu.enqueue_indirect_dma source(%dma_start3A_73 : memref<128x64xf32, #tpu.memory_space<vmem>>) target(%dma_start3A_79 : memref<98304x64xf32, #tpu.memory_space<hbm>>) offsets(%dma_start3A_76 : memref<128xi32, #tpu.memory_space<vmem>>) semaphore(%run_scoped3A_69 : memref<!tpu.dma_semaphore, #tpu.memory_space<semaphore_mem>>)
        %dma_wait3A_80 = arith.constant 0 : i32
        %dma_wait3A_81 = arith.constant 0 : i32
        %dma_wait3A_82 = tpu.memref_slice %arg8[%run_scoped3A, %dma_wait3A_80, %dma_wait3A_81] : memref<2x128x64xf32, #tpu.memory_space<vmem>> -> memref<1x128x64xf32, #tpu.memory_space<vmem>>
        %dma_wait3A_83 = tpu.memref_squeeze %dma_wait3A_82 : memref<1x128x64xf32, #tpu.memory_space<vmem>> -> memref<128x64xf32, #tpu.memory_space<vmem>>
        %dma_wait3A_84 = arith.constant 0 : i32
        %dma_wait3A_85 = tpu.memref_slice %arg7[%mul3A_31, %dma_wait3A_84] : memref<24x128xi32, #tpu.memory_space<vmem>> -> memref<1x128xi32, #tpu.memory_space<vmem>>
        %dma_wait3A_86 = tpu.memref_squeeze %dma_wait3A_85 : memref<1x128xi32, #tpu.memory_space<vmem>> -> memref<128xi32, #tpu.memory_space<vmem>>
        %dma_wait3A_87 = arith.constant 0 : i32
        %dma_wait3A_88 = arith.constant 0 : i32
        %dma_wait3A_89 = tpu.memref_slice %arg5[%dma_wait3A_87, %dma_wait3A_88] : memref<98304x64xf32, #tpu.memory_space<hbm>> -> memref<98304x64xf32, #tpu.memory_space<hbm>>
        tpu.wait_indirect_dma semaphore(%run_scoped3A_69 : memref<!tpu.dma_semaphore, #tpu.memory_space<semaphore_mem>>) src(%dma_wait3A_83 : memref<128x64xf32, #tpu.memory_space<vmem>>) dst(%dma_wait3A_89 : memref<98304x64xf32, #tpu.memory_space<hbm>>)
        tpu.yield
      }) : () -> ()
      %add3A_42 = arith.constant 2 : i32
      %add3A_43 = arith.addi %mul3A_31, %add3A_42 : i32
      %lt3A = arith.constant 24 : i32
      %lt3A_44 = arith.cmpi slt, %add3A_43, %lt3A : i32
      %convert_element_type3A = arith.extui %lt3A_44 : i1 to i32
      %cond3A = arith.constant 0 : i32
      %cond3A_45 = arith.cmpi ne, %convert_element_type3A, %cond3A : i32
      scf.if %cond3A_45 {
        %add3A_69 = arith.constant 2 : i32
        %add3A_70 = arith.addi %mul3A_31, %add3A_69 : i32
        %dma_start3A_71 = arith.constant 0 : i32
        %dma_start3A_72 = arith.constant 0 : i32
        %dma_start3A_73 = arith.constant 0 : i32
        %dma_start3A_74 = tpu.memref_slice %arg8[%dma_start3A_71, %dma_start3A_72, %dma_start3A_73] : memref<2x128x64xf32, #tpu.memory_space<vmem>> -> memref<1x128x64xf32, #tpu.memory_space<vmem>>
        %dma_start3A_75 = tpu.memref_squeeze %dma_start3A_74 : memref<1x128x64xf32, #tpu.memory_space<vmem>> -> memref<128x64xf32, #tpu.memory_space<vmem>>
        %dma_start3A_76 = arith.constant 0 : i32
        %dma_start3A_77 = tpu.memref_slice %arg6[%add3A_70, %dma_start3A_76] : memref<24x128xi32, #tpu.memory_space<vmem>> -> memref<1x128xi32, #tpu.memory_space<vmem>>
        %dma_start3A_78 = tpu.memref_squeeze %dma_start3A_77 : memref<1x128xi32, #tpu.memory_space<vmem>> -> memref<128xi32, #tpu.memory_space<vmem>>
        %dma_start3A_79 = arith.constant 0 : i32
        %dma_start3A_80 = arith.constant 0 : i32
        %dma_start3A_81 = tpu.memref_slice %arg2[%dma_start3A_79, %dma_start3A_80] : memref<100000x64xf32, #tpu.memory_space<hbm>> -> memref<100000x64xf32, #tpu.memory_space<hbm>>
        tpu.enqueue_indirect_dma source(%dma_start3A_81 : memref<100000x64xf32, #tpu.memory_space<hbm>>) target(%dma_start3A_75 : memref<128x64xf32, #tpu.memory_space<vmem>>) offsets(%dma_start3A_78 : memref<128xi32, #tpu.memory_space<vmem>>) semaphore(%arg9 : memref<!tpu.dma_semaphore, #tpu.memory_space<semaphore_mem>>)
      } else {
      }
      %add3A_46 = arith.constant 1 : i32
      %add3A_47 = arith.addi %mul3A_31, %add3A_46 : i32
      %dma_wait3A_48 = arith.constant 1 : i32
      %dma_wait3A_49 = arith.constant 0 : i32
      %dma_wait3A_50 = arith.constant 0 : i32
      %dma_wait3A_51 = tpu.memref_slice %arg8[%dma_wait3A_48, %dma_wait3A_49, %dma_wait3A_50] : memref<2x128x64xf32, #tpu.memory_space<vmem>> -> memref<1x128x64xf32, #tpu.memory_space<vmem>>
      %dma_wait3A_52 = tpu.memref_squeeze %dma_wait3A_51 : memref<1x128x64xf32, #tpu.memory_space<vmem>> -> memref<128x64xf32, #tpu.memory_space<vmem>>
      %dma_wait3A_53 = arith.constant 0 : i32
      %dma_wait3A_54 = tpu.memref_slice %arg6[%add3A_47, %dma_wait3A_53] : memref<24x128xi32, #tpu.memory_space<vmem>> -> memref<1x128xi32, #tpu.memory_space<vmem>>
      %dma_wait3A_55 = tpu.memref_squeeze %dma_wait3A_54 : memref<1x128xi32, #tpu.memory_space<vmem>> -> memref<128xi32, #tpu.memory_space<vmem>>
      %dma_wait3A_56 = arith.constant 0 : i32
      %dma_wait3A_57 = arith.constant 0 : i32
      %dma_wait3A_58 = tpu.memref_slice %arg2[%dma_wait3A_56, %dma_wait3A_57] : memref<100000x64xf32, #tpu.memory_space<hbm>> -> memref<100000x64xf32, #tpu.memory_space<hbm>>
      tpu.wait_indirect_dma semaphore(%arg10 : memref<!tpu.dma_semaphore, #tpu.memory_space<semaphore_mem>>) src(%dma_wait3A_58 : memref<100000x64xf32, #tpu.memory_space<hbm>>) dst(%dma_wait3A_52 : memref<128x64xf32, #tpu.memory_space<vmem>>)
      %add3A_59 = arith.constant 1 : i32
      %add3A_60 = arith.addi %mul3A_31, %add3A_59 : i32
      %run_scoped3A_61 = arith.constant 1 : i32
      "tpu.region"() ({
        %run_scoped3A_69 = tpu.sem_alloc : memref<!tpu.dma_semaphore, #tpu.memory_space<semaphore_mem>>
        %dma_start3A_70 = arith.constant 0 : i32
        %dma_start3A_71 = arith.constant 0 : i32
        %dma_start3A_72 = tpu.memref_slice %arg8[%run_scoped3A_61, %dma_start3A_70, %dma_start3A_71] : memref<2x128x64xf32, #tpu.memory_space<vmem>> -> memref<1x128x64xf32, #tpu.memory_space<vmem>>
        %dma_start3A_73 = tpu.memref_squeeze %dma_start3A_72 : memref<1x128x64xf32, #tpu.memory_space<vmem>> -> memref<128x64xf32, #tpu.memory_space<vmem>>
        %dma_start3A_74 = arith.constant 0 : i32
        %dma_start3A_75 = tpu.memref_slice %arg7[%add3A_60, %dma_start3A_74] : memref<24x128xi32, #tpu.memory_space<vmem>> -> memref<1x128xi32, #tpu.memory_space<vmem>>
        %dma_start3A_76 = tpu.memref_squeeze %dma_start3A_75 : memref<1x128xi32, #tpu.memory_space<vmem>> -> memref<128xi32, #tpu.memory_space<vmem>>
        %dma_start3A_77 = arith.constant 0 : i32
        %dma_start3A_78 = arith.constant 0 : i32
        %dma_start3A_79 = tpu.memref_slice %arg5[%dma_start3A_77, %dma_start3A_78] : memref<98304x64xf32, #tpu.memory_space<hbm>> -> memref<98304x64xf32, #tpu.memory_space<hbm>>
        tpu.enqueue_indirect_dma source(%dma_start3A_73 : memref<128x64xf32, #tpu.memory_space<vmem>>) target(%dma_start3A_79 : memref<98304x64xf32, #tpu.memory_space<hbm>>) offsets(%dma_start3A_76 : memref<128xi32, #tpu.memory_space<vmem>>) semaphore(%run_scoped3A_69 : memref<!tpu.dma_semaphore, #tpu.memory_space<semaphore_mem>>)
        %dma_wait3A_80 = arith.constant 0 : i32
        %dma_wait3A_81 = arith.constant 0 : i32
        %dma_wait3A_82 = tpu.memref_slice %arg8[%run_scoped3A_61, %dma_wait3A_80, %dma_wait3A_81] : memref<2x128x64xf32, #tpu.memory_space<vmem>> -> memref<1x128x64xf32, #tpu.memory_space<vmem>>
        %dma_wait3A_83 = tpu.memref_squeeze %dma_wait3A_82 : memref<1x128x64xf32, #tpu.memory_space<vmem>> -> memref<128x64xf32, #tpu.memory_space<vmem>>
        %dma_wait3A_84 = arith.constant 0 : i32
        %dma_wait3A_85 = tpu.memref_slice %arg7[%add3A_60, %dma_wait3A_84] : memref<24x128xi32, #tpu.memory_space<vmem>> -> memref<1x128xi32, #tpu.memory_space<vmem>>
        %dma_wait3A_86 = tpu.memref_squeeze %dma_wait3A_85 : memref<1x128xi32, #tpu.memory_space<vmem>> -> memref<128xi32, #tpu.memory_space<vmem>>
        %dma_wait3A_87 = arith.constant 0 : i32
        %dma_wait3A_88 = arith.constant 0 : i32
        %dma_wait3A_89 = tpu.memref_slice %arg5[%dma_wait3A_87, %dma_wait3A_88] : memref<98304x64xf32, #tpu.memory_space<hbm>> -> memref<98304x64xf32, #tpu.memory_space<hbm>>
        tpu.wait_indirect_dma semaphore(%run_scoped3A_69 : memref<!tpu.dma_semaphore, #tpu.memory_space<semaphore_mem>>) src(%dma_wait3A_83 : memref<128x64xf32, #tpu.memory_space<vmem>>) dst(%dma_wait3A_89 : memref<98304x64xf32, #tpu.memory_space<hbm>>)
        tpu.yield
      }) : () -> ()
      %add3A_62 = arith.constant 3 : i32
      %add3A_63 = arith.addi %mul3A_31, %add3A_62 : i32
      %lt3A_64 = arith.constant 24 : i32
      %lt3A_65 = arith.cmpi slt, %add3A_63, %lt3A_64 : i32
      %convert_element_type3A_66 = arith.extui %lt3A_65 : i1 to i32
      %cond3A_67 = arith.constant 0 : i32
      %cond3A_68 = arith.cmpi ne, %convert_element_type3A_66, %cond3A_67 : i32
      scf.if %cond3A_68 {
        %add3A_69 = arith.constant 3 : i32
        %add3A_70 = arith.addi %mul3A_31, %add3A_69 : i32
        %dma_start3A_71 = arith.constant 1 : i32
        %dma_start3A_72 = arith.constant 0 : i32
        %dma_start3A_73 = arith.constant 0 : i32
        %dma_start3A_74 = tpu.memref_slice %arg8[%dma_start3A_71, %dma_start3A_72, %dma_start3A_73] : memref<2x128x64xf32, #tpu.memory_space<vmem>> -> memref<1x128x64xf32, #tpu.memory_space<vmem>>
        %dma_start3A_75 = tpu.memref_squeeze %dma_start3A_74 : memref<1x128x64xf32, #tpu.memory_space<vmem>> -> memref<128x64xf32, #tpu.memory_space<vmem>>
        %dma_start3A_76 = arith.constant 0 : i32
        %dma_start3A_77 = tpu.memref_slice %arg6[%add3A_70, %dma_start3A_76] : memref<24x128xi32, #tpu.memory_space<vmem>> -> memref<1x128xi32, #tpu.memory_space<vmem>>
        %dma_start3A_78 = tpu.memref_squeeze %dma_start3A_77 : memref<1x128xi32, #tpu.memory_space<vmem>> -> memref<128xi32, #tpu.memory_space<vmem>>
        %dma_start3A_79 = arith.constant 0 : i32
        %dma_start3A_80 = arith.constant 0 : i32
        %dma_start3A_81 = tpu.memref_slice %arg2[%dma_start3A_79, %dma_start3A_80] : memref<100000x64xf32, #tpu.memory_space<hbm>> -> memref<100000x64xf32, #tpu.memory_space<hbm>>
        tpu.enqueue_indirect_dma source(%dma_start3A_81 : memref<100000x64xf32, #tpu.memory_space<hbm>>) target(%dma_start3A_75 : memref<128x64xf32, #tpu.memory_space<vmem>>) offsets(%dma_start3A_78 : memref<128xi32, #tpu.memory_space<vmem>>) semaphore(%arg10 : memref<!tpu.dma_semaphore, #tpu.memory_space<semaphore_mem>>)
      } else {
      }
    }
    %scan3A_28 = arith.constant 12 : i32
    return
  }
}

#map = affine_map<(d0, d1) -> (0, 0)>
#map1 = affine_map<(d0, d1) -> (0, 0, 0)>
module attributes {stable_mosaic.version = 14 : i64} {
  func.func @_permute_body(%arg0: i32, %arg1: i32, %arg2: memref<106496x128xf32, #tpu.memory_space<hbm>>, %arg3: memref<98304x128xf32, #tpu.memory_space<hbm>>, %arg4: memref<32x26x128xi32, #tpu.memory_space<hbm>>, %arg5: memref<32x24x128xi32, #tpu.memory_space<hbm>>, %arg6: memref<204800x128xf32, #tpu.memory_space<hbm>>, %arg7: memref<26x128xi32, #tpu.memory_space<vmem>>, %arg8: memref<24x128xi32, #tpu.memory_space<vmem>>, %arg9: memref<2x128x128xf32, #tpu.memory_space<vmem>>, %arg10: memref<!tpu.dma_semaphore, #tpu.memory_space<semaphore_mem>>, %arg11: memref<!tpu.dma_semaphore, #tpu.memory_space<semaphore_mem>>) attributes {dimension_semantics = [#tpu.dimension_semantics<core_parallel>, #tpu.dimension_semantics<subcore_parallel>], iteration_bounds = array<i64: 2, 16>, scalar_prefetch = 0 : i64, scratch_operands = 5 : i64, tpu.core_type = #tpu.core_type<sc_vector_subcore>, window_params = [{transform_indices = #map}, {transform_indices = #map}, {transform_indices = #map1}, {transform_indices = #map1}, {transform_indices = #map}]} {
    %mul3A = arith.constant 2 : i32
    %mul3A_0 = arith.muli %arg1, %mul3A : i32
    %add3A = arith.addi %mul3A_0, %arg0 : i32
    "tpu.region"() ({
      %run_scoped3A = tpu.sem_alloc : memref<!tpu.dma_semaphore, #tpu.memory_space<semaphore_mem>>
      %dma_start3A_79 = arith.constant 0 : i32
      %dma_start3A_80 = arith.constant 0 : i32
      %dma_start3A_81 = tpu.memref_slice %arg4[%add3A, %dma_start3A_79, %dma_start3A_80] : memref<32x26x128xi32, #tpu.memory_space<hbm>> -> memref<1x26x128xi32, #tpu.memory_space<hbm>>
      %dma_start3A_82 = tpu.memref_squeeze %dma_start3A_81 : memref<1x26x128xi32, #tpu.memory_space<hbm>> -> memref<26x128xi32, #tpu.memory_space<hbm>>
      %dma_start3A_83 = arith.constant 0 : i32
      %dma_start3A_84 = arith.constant 0 : i32
      %dma_start3A_85 = tpu.memref_slice %arg4[%add3A, %dma_start3A_83, %dma_start3A_84] : memref<32x26x128xi32, #tpu.memory_space<hbm>> -> memref<1x26x128xi32, #tpu.memory_space<hbm>>
      %dma_start3A_86 = tpu.memref_squeeze %dma_start3A_85 : memref<1x26x128xi32, #tpu.memory_space<hbm>> -> memref<26x128xi32, #tpu.memory_space<hbm>>
      tpu.enqueue_dma source(%dma_start3A_86 : memref<26x128xi32, #tpu.memory_space<hbm>>) target(%arg7 : memref<26x128xi32, #tpu.memory_space<vmem>>) target_semaphore(%run_scoped3A : memref<!tpu.dma_semaphore, #tpu.memory_space<semaphore_mem>>)
      %dma_wait3A = arith.constant 0 : i32
      %dma_wait3A_87 = arith.constant 0 : i32
      %dma_wait3A_88 = tpu.memref_slice %arg4[%add3A, %dma_wait3A, %dma_wait3A_87] : memref<32x26x128xi32, #tpu.memory_space<hbm>> -> memref<1x26x128xi32, #tpu.memory_space<hbm>>
      %dma_wait3A_89 = tpu.memref_squeeze %dma_wait3A_88 : memref<1x26x128xi32, #tpu.memory_space<hbm>> -> memref<26x128xi32, #tpu.memory_space<hbm>>
      %dma_wait3A_90 = arith.constant 0 : i32
      %dma_wait3A_91 = arith.constant 0 : i32
      %dma_wait3A_92 = tpu.memref_slice %arg4[%add3A, %dma_wait3A_90, %dma_wait3A_91] : memref<32x26x128xi32, #tpu.memory_space<hbm>> -> memref<1x26x128xi32, #tpu.memory_space<hbm>>
      %dma_wait3A_93 = tpu.memref_squeeze %dma_wait3A_92 : memref<1x26x128xi32, #tpu.memory_space<hbm>> -> memref<26x128xi32, #tpu.memory_space<hbm>>
      tpu.wait_dma2 semaphore(%run_scoped3A : memref<!tpu.dma_semaphore, #tpu.memory_space<semaphore_mem>>) src(%dma_wait3A_93 : memref<26x128xi32, #tpu.memory_space<hbm>>) dst(%arg7 : memref<26x128xi32, #tpu.memory_space<vmem>>)
      tpu.yield
    }) : () -> ()
    "tpu.region"() ({
      %run_scoped3A = tpu.sem_alloc : memref<!tpu.dma_semaphore, #tpu.memory_space<semaphore_mem>>
      %dma_start3A_79 = arith.constant 0 : i32
      %dma_start3A_80 = arith.constant 0 : i32
      %dma_start3A_81 = tpu.memref_slice %arg5[%add3A, %dma_start3A_79, %dma_start3A_80] : memref<32x24x128xi32, #tpu.memory_space<hbm>> -> memref<1x24x128xi32, #tpu.memory_space<hbm>>
      %dma_start3A_82 = tpu.memref_squeeze %dma_start3A_81 : memref<1x24x128xi32, #tpu.memory_space<hbm>> -> memref<24x128xi32, #tpu.memory_space<hbm>>
      %dma_start3A_83 = arith.constant 0 : i32
      %dma_start3A_84 = arith.constant 0 : i32
      %dma_start3A_85 = tpu.memref_slice %arg5[%add3A, %dma_start3A_83, %dma_start3A_84] : memref<32x24x128xi32, #tpu.memory_space<hbm>> -> memref<1x24x128xi32, #tpu.memory_space<hbm>>
      %dma_start3A_86 = tpu.memref_squeeze %dma_start3A_85 : memref<1x24x128xi32, #tpu.memory_space<hbm>> -> memref<24x128xi32, #tpu.memory_space<hbm>>
      tpu.enqueue_dma source(%dma_start3A_86 : memref<24x128xi32, #tpu.memory_space<hbm>>) target(%arg8 : memref<24x128xi32, #tpu.memory_space<vmem>>) target_semaphore(%run_scoped3A : memref<!tpu.dma_semaphore, #tpu.memory_space<semaphore_mem>>)
      %dma_wait3A = arith.constant 0 : i32
      %dma_wait3A_87 = arith.constant 0 : i32
      %dma_wait3A_88 = tpu.memref_slice %arg5[%add3A, %dma_wait3A, %dma_wait3A_87] : memref<32x24x128xi32, #tpu.memory_space<hbm>> -> memref<1x24x128xi32, #tpu.memory_space<hbm>>
      %dma_wait3A_89 = tpu.memref_squeeze %dma_wait3A_88 : memref<1x24x128xi32, #tpu.memory_space<hbm>> -> memref<24x128xi32, #tpu.memory_space<hbm>>
      %dma_wait3A_90 = arith.constant 0 : i32
      %dma_wait3A_91 = arith.constant 0 : i32
      %dma_wait3A_92 = tpu.memref_slice %arg5[%add3A, %dma_wait3A_90, %dma_wait3A_91] : memref<32x24x128xi32, #tpu.memory_space<hbm>> -> memref<1x24x128xi32, #tpu.memory_space<hbm>>
      %dma_wait3A_93 = tpu.memref_squeeze %dma_wait3A_92 : memref<1x24x128xi32, #tpu.memory_space<hbm>> -> memref<24x128xi32, #tpu.memory_space<hbm>>
      tpu.wait_dma2 semaphore(%run_scoped3A : memref<!tpu.dma_semaphore, #tpu.memory_space<semaphore_mem>>) src(%dma_wait3A_93 : memref<24x128xi32, #tpu.memory_space<hbm>>) dst(%arg8 : memref<24x128xi32, #tpu.memory_space<vmem>>)
      tpu.yield
    }) : () -> ()
    %mul3A_1 = arith.constant 26 : i32
    %mul3A_2 = arith.muli %add3A, %mul3A_1 : i32
    %mul3A_3 = arith.constant 128 : i32
    %mul3A_4 = arith.muli %mul3A_2, %mul3A_3 : i32
    %add3A_5 = arith.constant 0 : i32
    %add3A_6 = arith.addi %mul3A_4, %add3A_5 : i32
    %dma_start3A = arith.constant 0 : i32
    %dma_start3A_7 = arith.constant 0 : i32
    %dma_start3A_8 = arith.constant 0 : i32
    %dma_start3A_9 = tpu.memref_slice %arg9[%dma_start3A, %dma_start3A_7, %dma_start3A_8] : memref<2x128x128xf32, #tpu.memory_space<vmem>> -> memref<1x128x128xf32, #tpu.memory_space<vmem>>
    %dma_start3A_10 = tpu.memref_squeeze %dma_start3A_9 : memref<1x128x128xf32, #tpu.memory_space<vmem>> -> memref<128x128xf32, #tpu.memory_space<vmem>>
    %dma_start3A_11 = arith.constant 0 : i32
    %dma_start3A_12 = tpu.memref_slice %arg2[%add3A_6, %dma_start3A_11] : memref<106496x128xf32, #tpu.memory_space<hbm>> -> memref<128x128xf32, #tpu.memory_space<hbm>>
    %dma_start3A_13 = arith.constant 0 : i32
    %dma_start3A_14 = arith.constant 0 : i32
    %dma_start3A_15 = tpu.memref_slice %arg9[%dma_start3A, %dma_start3A_13, %dma_start3A_14] : memref<2x128x128xf32, #tpu.memory_space<vmem>> -> memref<1x128x128xf32, #tpu.memory_space<vmem>>
    %dma_start3A_16 = tpu.memref_squeeze %dma_start3A_15 : memref<1x128x128xf32, #tpu.memory_space<vmem>> -> memref<128x128xf32, #tpu.memory_space<vmem>>
    %dma_start3A_17 = arith.constant 0 : i32
    %dma_start3A_18 = tpu.memref_slice %arg2[%add3A_6, %dma_start3A_17] : memref<106496x128xf32, #tpu.memory_space<hbm>> -> memref<128x128xf32, #tpu.memory_space<hbm>>
    tpu.enqueue_dma source(%dma_start3A_18 : memref<128x128xf32, #tpu.memory_space<hbm>>) target(%dma_start3A_16 : memref<128x128xf32, #tpu.memory_space<vmem>>) target_semaphore(%arg10 : memref<!tpu.dma_semaphore, #tpu.memory_space<semaphore_mem>>)
    %add3A_19 = arith.constant 128 : i32
    %add3A_20 = arith.addi %mul3A_4, %add3A_19 : i32
    %dma_start3A_21 = arith.constant 1 : i32
    %dma_start3A_22 = arith.constant 0 : i32
    %dma_start3A_23 = arith.constant 0 : i32
    %dma_start3A_24 = tpu.memref_slice %arg9[%dma_start3A_21, %dma_start3A_22, %dma_start3A_23] : memref<2x128x128xf32, #tpu.memory_space<vmem>> -> memref<1x128x128xf32, #tpu.memory_space<vmem>>
    %dma_start3A_25 = tpu.memref_squeeze %dma_start3A_24 : memref<1x128x128xf32, #tpu.memory_space<vmem>> -> memref<128x128xf32, #tpu.memory_space<vmem>>
    %dma_start3A_26 = arith.constant 0 : i32
    %dma_start3A_27 = tpu.memref_slice %arg2[%add3A_20, %dma_start3A_26] : memref<106496x128xf32, #tpu.memory_space<hbm>> -> memref<128x128xf32, #tpu.memory_space<hbm>>
    %dma_start3A_28 = arith.constant 0 : i32
    %dma_start3A_29 = arith.constant 0 : i32
    %dma_start3A_30 = tpu.memref_slice %arg9[%dma_start3A_21, %dma_start3A_28, %dma_start3A_29] : memref<2x128x128xf32, #tpu.memory_space<vmem>> -> memref<1x128x128xf32, #tpu.memory_space<vmem>>
    %dma_start3A_31 = tpu.memref_squeeze %dma_start3A_30 : memref<1x128x128xf32, #tpu.memory_space<vmem>> -> memref<128x128xf32, #tpu.memory_space<vmem>>
    %dma_start3A_32 = arith.constant 0 : i32
    %dma_start3A_33 = tpu.memref_slice %arg2[%add3A_20, %dma_start3A_32] : memref<106496x128xf32, #tpu.memory_space<hbm>> -> memref<128x128xf32, #tpu.memory_space<hbm>>
    tpu.enqueue_dma source(%dma_start3A_33 : memref<128x128xf32, #tpu.memory_space<hbm>>) target(%dma_start3A_31 : memref<128x128xf32, #tpu.memory_space<vmem>>) target_semaphore(%arg11 : memref<!tpu.dma_semaphore, #tpu.memory_space<semaphore_mem>>)
    %scan3A = arith.constant 0 : i32
    %scan3A_34 = arith.constant 0 : i32
    %scan3A_35 = arith.constant 13 : i32
    %scan3A_36 = arith.addi %scan3A_34, %scan3A_35 : i32
    %scan3A_37 = arith.constant 1 : i32
    scf.for %scan3A_79 = %scan3A_34 to %scan3A_36 step %scan3A_37  : i32 {
      %mul3A_80 = arith.constant 2 : i32
      %mul3A_81 = arith.muli %mul3A_80, %scan3A_79 : i32
      %mul3A_82 = arith.constant 128 : i32
      %mul3A_83 = arith.muli %mul3A_81, %mul3A_82 : i32
      %add3A_84 = arith.addi %mul3A_4, %mul3A_83 : i32
      %dma_wait3A = arith.constant 0 : i32
      %dma_wait3A_85 = arith.constant 0 : i32
      %dma_wait3A_86 = arith.constant 0 : i32
      %dma_wait3A_87 = tpu.memref_slice %arg9[%dma_wait3A, %dma_wait3A_85, %dma_wait3A_86] : memref<2x128x128xf32, #tpu.memory_space<vmem>> -> memref<1x128x128xf32, #tpu.memory_space<vmem>>
      %dma_wait3A_88 = tpu.memref_squeeze %dma_wait3A_87 : memref<1x128x128xf32, #tpu.memory_space<vmem>> -> memref<128x128xf32, #tpu.memory_space<vmem>>
      %dma_wait3A_89 = arith.constant 0 : i32
      %dma_wait3A_90 = tpu.memref_slice %arg2[%add3A_84, %dma_wait3A_89] : memref<106496x128xf32, #tpu.memory_space<hbm>> -> memref<128x128xf32, #tpu.memory_space<hbm>>
      %dma_wait3A_91 = arith.constant 0 : i32
      %dma_wait3A_92 = arith.constant 0 : i32
      %dma_wait3A_93 = tpu.memref_slice %arg9[%dma_wait3A, %dma_wait3A_91, %dma_wait3A_92] : memref<2x128x128xf32, #tpu.memory_space<vmem>> -> memref<1x128x128xf32, #tpu.memory_space<vmem>>
      %dma_wait3A_94 = tpu.memref_squeeze %dma_wait3A_93 : memref<1x128x128xf32, #tpu.memory_space<vmem>> -> memref<128x128xf32, #tpu.memory_space<vmem>>
      %dma_wait3A_95 = arith.constant 0 : i32
      %dma_wait3A_96 = tpu.memref_slice %arg2[%add3A_84, %dma_wait3A_95] : memref<106496x128xf32, #tpu.memory_space<hbm>> -> memref<128x128xf32, #tpu.memory_space<hbm>>
      tpu.wait_dma2 semaphore(%arg10 : memref<!tpu.dma_semaphore, #tpu.memory_space<semaphore_mem>>) src(%dma_wait3A_96 : memref<128x128xf32, #tpu.memory_space<hbm>>) dst(%dma_wait3A_94 : memref<128x128xf32, #tpu.memory_space<vmem>>)
      %run_scoped3A = arith.constant 0 : i32
      "tpu.region"() ({
        %run_scoped3A_129 = tpu.sem_alloc : memref<!tpu.dma_semaphore, #tpu.memory_space<semaphore_mem>>
        %dma_start3A_130 = arith.constant 0 : i32
        %dma_start3A_131 = arith.constant 0 : i32
        %dma_start3A_132 = tpu.memref_slice %arg9[%run_scoped3A, %dma_start3A_130, %dma_start3A_131] : memref<2x128x128xf32, #tpu.memory_space<vmem>> -> memref<1x128x128xf32, #tpu.memory_space<vmem>>
        %dma_start3A_133 = tpu.memref_squeeze %dma_start3A_132 : memref<1x128x128xf32, #tpu.memory_space<vmem>> -> memref<128x128xf32, #tpu.memory_space<vmem>>
        %dma_start3A_134 = arith.constant 0 : i32
        %dma_start3A_135 = tpu.memref_slice %arg7[%mul3A_81, %dma_start3A_134] : memref<26x128xi32, #tpu.memory_space<vmem>> -> memref<1x128xi32, #tpu.memory_space<vmem>>
        %dma_start3A_136 = tpu.memref_squeeze %dma_start3A_135 : memref<1x128xi32, #tpu.memory_space<vmem>> -> memref<128xi32, #tpu.memory_space<vmem>>
        %dma_start3A_137 = arith.constant 0 : i32
        %dma_start3A_138 = arith.constant 0 : i32
        %dma_start3A_139 = tpu.memref_slice %arg6[%dma_start3A_137, %dma_start3A_138] : memref<204800x128xf32, #tpu.memory_space<hbm>> -> memref<204800x128xf32, #tpu.memory_space<hbm>>
        tpu.enqueue_indirect_dma source(%dma_start3A_133 : memref<128x128xf32, #tpu.memory_space<vmem>>) target(%dma_start3A_139 : memref<204800x128xf32, #tpu.memory_space<hbm>>) offsets(%dma_start3A_136 : memref<128xi32, #tpu.memory_space<vmem>>) semaphore(%run_scoped3A_129 : memref<!tpu.dma_semaphore, #tpu.memory_space<semaphore_mem>>)
        %dma_wait3A_140 = arith.constant 0 : i32
        %dma_wait3A_141 = arith.constant 0 : i32
        %dma_wait3A_142 = tpu.memref_slice %arg9[%run_scoped3A, %dma_wait3A_140, %dma_wait3A_141] : memref<2x128x128xf32, #tpu.memory_space<vmem>> -> memref<1x128x128xf32, #tpu.memory_space<vmem>>
        %dma_wait3A_143 = tpu.memref_squeeze %dma_wait3A_142 : memref<1x128x128xf32, #tpu.memory_space<vmem>> -> memref<128x128xf32, #tpu.memory_space<vmem>>
        %dma_wait3A_144 = arith.constant 0 : i32
        %dma_wait3A_145 = tpu.memref_slice %arg7[%mul3A_81, %dma_wait3A_144] : memref<26x128xi32, #tpu.memory_space<vmem>> -> memref<1x128xi32, #tpu.memory_space<vmem>>
        %dma_wait3A_146 = tpu.memref_squeeze %dma_wait3A_145 : memref<1x128xi32, #tpu.memory_space<vmem>> -> memref<128xi32, #tpu.memory_space<vmem>>
        %dma_wait3A_147 = arith.constant 0 : i32
        %dma_wait3A_148 = arith.constant 0 : i32
        %dma_wait3A_149 = tpu.memref_slice %arg6[%dma_wait3A_147, %dma_wait3A_148] : memref<204800x128xf32, #tpu.memory_space<hbm>> -> memref<204800x128xf32, #tpu.memory_space<hbm>>
        tpu.wait_indirect_dma semaphore(%run_scoped3A_129 : memref<!tpu.dma_semaphore, #tpu.memory_space<semaphore_mem>>) src(%dma_wait3A_143 : memref<128x128xf32, #tpu.memory_space<vmem>>) dst(%dma_wait3A_149 : memref<204800x128xf32, #tpu.memory_space<hbm>>)
        tpu.yield
      }) : () -> ()
      %add3A_97 = arith.constant 2 : i32
      %add3A_98 = arith.addi %mul3A_81, %add3A_97 : i32
      %lt3A = arith.constant 26 : i32
      %lt3A_99 = arith.cmpi slt, %add3A_98, %lt3A : i32
      %convert_element_type3A = arith.extui %lt3A_99 : i1 to i32
      %cond3A = arith.constant 0 : i32
      %cond3A_100 = arith.cmpi ne, %convert_element_type3A, %cond3A : i32
      scf.if %cond3A_100 {
        %add3A_129 = arith.constant 2 : i32
        %add3A_130 = arith.addi %mul3A_81, %add3A_129 : i32
        %mul3A_131 = arith.constant 128 : i32
        %mul3A_132 = arith.muli %add3A_130, %mul3A_131 : i32
        %add3A_133 = arith.addi %mul3A_4, %mul3A_132 : i32
        %dma_start3A_134 = arith.constant 0 : i32
        %dma_start3A_135 = arith.constant 0 : i32
        %dma_start3A_136 = arith.constant 0 : i32
        %dma_start3A_137 = tpu.memref_slice %arg9[%dma_start3A_134, %dma_start3A_135, %dma_start3A_136] : memref<2x128x128xf32, #tpu.memory_space<vmem>> -> memref<1x128x128xf32, #tpu.memory_space<vmem>>
        %dma_start3A_138 = tpu.memref_squeeze %dma_start3A_137 : memref<1x128x128xf32, #tpu.memory_space<vmem>> -> memref<128x128xf32, #tpu.memory_space<vmem>>
        %dma_start3A_139 = arith.constant 0 : i32
        %dma_start3A_140 = tpu.memref_slice %arg2[%add3A_133, %dma_start3A_139] : memref<106496x128xf32, #tpu.memory_space<hbm>> -> memref<128x128xf32, #tpu.memory_space<hbm>>
        %dma_start3A_141 = arith.constant 0 : i32
        %dma_start3A_142 = arith.constant 0 : i32
        %dma_start3A_143 = tpu.memref_slice %arg9[%dma_start3A_134, %dma_start3A_141, %dma_start3A_142] : memref<2x128x128xf32, #tpu.memory_space<vmem>> -> memref<1x128x128xf32, #tpu.memory_space<vmem>>
        %dma_start3A_144 = tpu.memref_squeeze %dma_start3A_143 : memref<1x128x128xf32, #tpu.memory_space<vmem>> -> memref<128x128xf32, #tpu.memory_space<vmem>>
        %dma_start3A_145 = arith.constant 0 : i32
        %dma_start3A_146 = tpu.memref_slice %arg2[%add3A_133, %dma_start3A_145] : memref<106496x128xf32, #tpu.memory_space<hbm>> -> memref<128x128xf32, #tpu.memory_space<hbm>>
        tpu.enqueue_dma source(%dma_start3A_146 : memref<128x128xf32, #tpu.memory_space<hbm>>) target(%dma_start3A_144 : memref<128x128xf32, #tpu.memory_space<vmem>>) target_semaphore(%arg10 : memref<!tpu.dma_semaphore, #tpu.memory_space<semaphore_mem>>)
      } else {
      }
      %add3A_101 = arith.constant 1 : i32
      %add3A_102 = arith.addi %mul3A_81, %add3A_101 : i32
      %mul3A_103 = arith.constant 128 : i32
      %mul3A_104 = arith.muli %add3A_102, %mul3A_103 : i32
      %add3A_105 = arith.addi %mul3A_4, %mul3A_104 : i32
      %dma_wait3A_106 = arith.constant 1 : i32
      %dma_wait3A_107 = arith.constant 0 : i32
      %dma_wait3A_108 = arith.constant 0 : i32
      %dma_wait3A_109 = tpu.memref_slice %arg9[%dma_wait3A_106, %dma_wait3A_107, %dma_wait3A_108] : memref<2x128x128xf32, #tpu.memory_space<vmem>> -> memref<1x128x128xf32, #tpu.memory_space<vmem>>
      %dma_wait3A_110 = tpu.memref_squeeze %dma_wait3A_109 : memref<1x128x128xf32, #tpu.memory_space<vmem>> -> memref<128x128xf32, #tpu.memory_space<vmem>>
      %dma_wait3A_111 = arith.constant 0 : i32
      %dma_wait3A_112 = tpu.memref_slice %arg2[%add3A_105, %dma_wait3A_111] : memref<106496x128xf32, #tpu.memory_space<hbm>> -> memref<128x128xf32, #tpu.memory_space<hbm>>
      %dma_wait3A_113 = arith.constant 0 : i32
      %dma_wait3A_114 = arith.constant 0 : i32
      %dma_wait3A_115 = tpu.memref_slice %arg9[%dma_wait3A_106, %dma_wait3A_113, %dma_wait3A_114] : memref<2x128x128xf32, #tpu.memory_space<vmem>> -> memref<1x128x128xf32, #tpu.memory_space<vmem>>
      %dma_wait3A_116 = tpu.memref_squeeze %dma_wait3A_115 : memref<1x128x128xf32, #tpu.memory_space<vmem>> -> memref<128x128xf32, #tpu.memory_space<vmem>>
      %dma_wait3A_117 = arith.constant 0 : i32
      %dma_wait3A_118 = tpu.memref_slice %arg2[%add3A_105, %dma_wait3A_117] : memref<106496x128xf32, #tpu.memory_space<hbm>> -> memref<128x128xf32, #tpu.memory_space<hbm>>
      tpu.wait_dma2 semaphore(%arg11 : memref<!tpu.dma_semaphore, #tpu.memory_space<semaphore_mem>>) src(%dma_wait3A_118 : memref<128x128xf32, #tpu.memory_space<hbm>>) dst(%dma_wait3A_116 : memref<128x128xf32, #tpu.memory_space<vmem>>)
      %add3A_119 = arith.constant 1 : i32
      %add3A_120 = arith.addi %mul3A_81, %add3A_119 : i32
      %run_scoped3A_121 = arith.constant 1 : i32
      "tpu.region"() ({
        %run_scoped3A_129 = tpu.sem_alloc : memref<!tpu.dma_semaphore, #tpu.memory_space<semaphore_mem>>
        %dma_start3A_130 = arith.constant 0 : i32
        %dma_start3A_131 = arith.constant 0 : i32
        %dma_start3A_132 = tpu.memref_slice %arg9[%run_scoped3A_121, %dma_start3A_130, %dma_start3A_131] : memref<2x128x128xf32, #tpu.memory_space<vmem>> -> memref<1x128x128xf32, #tpu.memory_space<vmem>>
        %dma_start3A_133 = tpu.memref_squeeze %dma_start3A_132 : memref<1x128x128xf32, #tpu.memory_space<vmem>> -> memref<128x128xf32, #tpu.memory_space<vmem>>
        %dma_start3A_134 = arith.constant 0 : i32
        %dma_start3A_135 = tpu.memref_slice %arg7[%add3A_120, %dma_start3A_134] : memref<26x128xi32, #tpu.memory_space<vmem>> -> memref<1x128xi32, #tpu.memory_space<vmem>>
        %dma_start3A_136 = tpu.memref_squeeze %dma_start3A_135 : memref<1x128xi32, #tpu.memory_space<vmem>> -> memref<128xi32, #tpu.memory_space<vmem>>
        %dma_start3A_137 = arith.constant 0 : i32
        %dma_start3A_138 = arith.constant 0 : i32
        %dma_start3A_139 = tpu.memref_slice %arg6[%dma_start3A_137, %dma_start3A_138] : memref<204800x128xf32, #tpu.memory_space<hbm>> -> memref<204800x128xf32, #tpu.memory_space<hbm>>
        tpu.enqueue_indirect_dma source(%dma_start3A_133 : memref<128x128xf32, #tpu.memory_space<vmem>>) target(%dma_start3A_139 : memref<204800x128xf32, #tpu.memory_space<hbm>>) offsets(%dma_start3A_136 : memref<128xi32, #tpu.memory_space<vmem>>) semaphore(%run_scoped3A_129 : memref<!tpu.dma_semaphore, #tpu.memory_space<semaphore_mem>>)
        %dma_wait3A_140 = arith.constant 0 : i32
        %dma_wait3A_141 = arith.constant 0 : i32
        %dma_wait3A_142 = tpu.memref_slice %arg9[%run_scoped3A_121, %dma_wait3A_140, %dma_wait3A_141] : memref<2x128x128xf32, #tpu.memory_space<vmem>> -> memref<1x128x128xf32, #tpu.memory_space<vmem>>
        %dma_wait3A_143 = tpu.memref_squeeze %dma_wait3A_142 : memref<1x128x128xf32, #tpu.memory_space<vmem>> -> memref<128x128xf32, #tpu.memory_space<vmem>>
        %dma_wait3A_144 = arith.constant 0 : i32
        %dma_wait3A_145 = tpu.memref_slice %arg7[%add3A_120, %dma_wait3A_144] : memref<26x128xi32, #tpu.memory_space<vmem>> -> memref<1x128xi32, #tpu.memory_space<vmem>>
        %dma_wait3A_146 = tpu.memref_squeeze %dma_wait3A_145 : memref<1x128xi32, #tpu.memory_space<vmem>> -> memref<128xi32, #tpu.memory_space<vmem>>
        %dma_wait3A_147 = arith.constant 0 : i32
        %dma_wait3A_148 = arith.constant 0 : i32
        %dma_wait3A_149 = tpu.memref_slice %arg6[%dma_wait3A_147, %dma_wait3A_148] : memref<204800x128xf32, #tpu.memory_space<hbm>> -> memref<204800x128xf32, #tpu.memory_space<hbm>>
        tpu.wait_indirect_dma semaphore(%run_scoped3A_129 : memref<!tpu.dma_semaphore, #tpu.memory_space<semaphore_mem>>) src(%dma_wait3A_143 : memref<128x128xf32, #tpu.memory_space<vmem>>) dst(%dma_wait3A_149 : memref<204800x128xf32, #tpu.memory_space<hbm>>)
        tpu.yield
      }) : () -> ()
      %add3A_122 = arith.constant 3 : i32
      %add3A_123 = arith.addi %mul3A_81, %add3A_122 : i32
      %lt3A_124 = arith.constant 26 : i32
      %lt3A_125 = arith.cmpi slt, %add3A_123, %lt3A_124 : i32
      %convert_element_type3A_126 = arith.extui %lt3A_125 : i1 to i32
      %cond3A_127 = arith.constant 0 : i32
      %cond3A_128 = arith.cmpi ne, %convert_element_type3A_126, %cond3A_127 : i32
      scf.if %cond3A_128 {
        %add3A_129 = arith.constant 3 : i32
        %add3A_130 = arith.addi %mul3A_81, %add3A_129 : i32
        %mul3A_131 = arith.constant 128 : i32
        %mul3A_132 = arith.muli %add3A_130, %mul3A_131 : i32
        %add3A_133 = arith.addi %mul3A_4, %mul3A_132 : i32
        %dma_start3A_134 = arith.constant 1 : i32
        %dma_start3A_135 = arith.constant 0 : i32
        %dma_start3A_136 = arith.constant 0 : i32
        %dma_start3A_137 = tpu.memref_slice %arg9[%dma_start3A_134, %dma_start3A_135, %dma_start3A_136] : memref<2x128x128xf32, #tpu.memory_space<vmem>> -> memref<1x128x128xf32, #tpu.memory_space<vmem>>
        %dma_start3A_138 = tpu.memref_squeeze %dma_start3A_137 : memref<1x128x128xf32, #tpu.memory_space<vmem>> -> memref<128x128xf32, #tpu.memory_space<vmem>>
        %dma_start3A_139 = arith.constant 0 : i32
        %dma_start3A_140 = tpu.memref_slice %arg2[%add3A_133, %dma_start3A_139] : memref<106496x128xf32, #tpu.memory_space<hbm>> -> memref<128x128xf32, #tpu.memory_space<hbm>>
        %dma_start3A_141 = arith.constant 0 : i32
        %dma_start3A_142 = arith.constant 0 : i32
        %dma_start3A_143 = tpu.memref_slice %arg9[%dma_start3A_134, %dma_start3A_141, %dma_start3A_142] : memref<2x128x128xf32, #tpu.memory_space<vmem>> -> memref<1x128x128xf32, #tpu.memory_space<vmem>>
        %dma_start3A_144 = tpu.memref_squeeze %dma_start3A_143 : memref<1x128x128xf32, #tpu.memory_space<vmem>> -> memref<128x128xf32, #tpu.memory_space<vmem>>
        %dma_start3A_145 = arith.constant 0 : i32
        %dma_start3A_146 = tpu.memref_slice %arg2[%add3A_133, %dma_start3A_145] : memref<106496x128xf32, #tpu.memory_space<hbm>> -> memref<128x128xf32, #tpu.memory_space<hbm>>
        tpu.enqueue_dma source(%dma_start3A_146 : memref<128x128xf32, #tpu.memory_space<hbm>>) target(%dma_start3A_144 : memref<128x128xf32, #tpu.memory_space<vmem>>) target_semaphore(%arg11 : memref<!tpu.dma_semaphore, #tpu.memory_space<semaphore_mem>>)
      } else {
      }
    }
    %scan3A_38 = arith.constant 13 : i32
    %mul3A_39 = arith.constant 24 : i32
    %mul3A_40 = arith.muli %add3A, %mul3A_39 : i32
    %mul3A_41 = arith.constant 128 : i32
    %mul3A_42 = arith.muli %mul3A_40, %mul3A_41 : i32
    %add3A_43 = arith.constant 0 : i32
    %add3A_44 = arith.addi %mul3A_42, %add3A_43 : i32
    %dma_start3A_45 = arith.constant 0 : i32
    %dma_start3A_46 = arith.constant 0 : i32
    %dma_start3A_47 = arith.constant 0 : i32
    %dma_start3A_48 = tpu.memref_slice %arg9[%dma_start3A_45, %dma_start3A_46, %dma_start3A_47] : memref<2x128x128xf32, #tpu.memory_space<vmem>> -> memref<1x128x128xf32, #tpu.memory_space<vmem>>
    %dma_start3A_49 = tpu.memref_squeeze %dma_start3A_48 : memref<1x128x128xf32, #tpu.memory_space<vmem>> -> memref<128x128xf32, #tpu.memory_space<vmem>>
    %dma_start3A_50 = arith.constant 0 : i32
    %dma_start3A_51 = tpu.memref_slice %arg3[%add3A_44, %dma_start3A_50] : memref<98304x128xf32, #tpu.memory_space<hbm>> -> memref<128x128xf32, #tpu.memory_space<hbm>>
    %dma_start3A_52 = arith.constant 0 : i32
    %dma_start3A_53 = arith.constant 0 : i32
    %dma_start3A_54 = tpu.memref_slice %arg9[%dma_start3A_45, %dma_start3A_52, %dma_start3A_53] : memref<2x128x128xf32, #tpu.memory_space<vmem>> -> memref<1x128x128xf32, #tpu.memory_space<vmem>>
    %dma_start3A_55 = tpu.memref_squeeze %dma_start3A_54 : memref<1x128x128xf32, #tpu.memory_space<vmem>> -> memref<128x128xf32, #tpu.memory_space<vmem>>
    %dma_start3A_56 = arith.constant 0 : i32
    %dma_start3A_57 = tpu.memref_slice %arg3[%add3A_44, %dma_start3A_56] : memref<98304x128xf32, #tpu.memory_space<hbm>> -> memref<128x128xf32, #tpu.memory_space<hbm>>
    tpu.enqueue_dma source(%dma_start3A_57 : memref<128x128xf32, #tpu.memory_space<hbm>>) target(%dma_start3A_55 : memref<128x128xf32, #tpu.memory_space<vmem>>) target_semaphore(%arg10 : memref<!tpu.dma_semaphore, #tpu.memory_space<semaphore_mem>>)
    %add3A_58 = arith.constant 128 : i32
    %add3A_59 = arith.addi %mul3A_42, %add3A_58 : i32
    %dma_start3A_60 = arith.constant 1 : i32
    %dma_start3A_61 = arith.constant 0 : i32
    %dma_start3A_62 = arith.constant 0 : i32
    %dma_start3A_63 = tpu.memref_slice %arg9[%dma_start3A_60, %dma_start3A_61, %dma_start3A_62] : memref<2x128x128xf32, #tpu.memory_space<vmem>> -> memref<1x128x128xf32, #tpu.memory_space<vmem>>
    %dma_start3A_64 = tpu.memref_squeeze %dma_start3A_63 : memref<1x128x128xf32, #tpu.memory_space<vmem>> -> memref<128x128xf32, #tpu.memory_space<vmem>>
    %dma_start3A_65 = arith.constant 0 : i32
    %dma_start3A_66 = tpu.memref_slice %arg3[%add3A_59, %dma_start3A_65] : memref<98304x128xf32, #tpu.memory_space<hbm>> -> memref<128x128xf32, #tpu.memory_space<hbm>>
    %dma_start3A_67 = arith.constant 0 : i32
    %dma_start3A_68 = arith.constant 0 : i32
    %dma_start3A_69 = tpu.memref_slice %arg9[%dma_start3A_60, %dma_start3A_67, %dma_start3A_68] : memref<2x128x128xf32, #tpu.memory_space<vmem>> -> memref<1x128x128xf32, #tpu.memory_space<vmem>>
    %dma_start3A_70 = tpu.memref_squeeze %dma_start3A_69 : memref<1x128x128xf32, #tpu.memory_space<vmem>> -> memref<128x128xf32, #tpu.memory_space<vmem>>
    %dma_start3A_71 = arith.constant 0 : i32
    %dma_start3A_72 = tpu.memref_slice %arg3[%add3A_59, %dma_start3A_71] : memref<98304x128xf32, #tpu.memory_space<hbm>> -> memref<128x128xf32, #tpu.memory_space<hbm>>
    tpu.enqueue_dma source(%dma_start3A_72 : memref<128x128xf32, #tpu.memory_space<hbm>>) target(%dma_start3A_70 : memref<128x128xf32, #tpu.memory_space<vmem>>) target_semaphore(%arg11 : memref<!tpu.dma_semaphore, #tpu.memory_space<semaphore_mem>>)
    %scan3A_73 = arith.constant 0 : i32
    %scan3A_74 = arith.constant 0 : i32
    %scan3A_75 = arith.constant 12 : i32
    %scan3A_76 = arith.addi %scan3A_74, %scan3A_75 : i32
    %scan3A_77 = arith.constant 1 : i32
    scf.for %scan3A_79 = %scan3A_74 to %scan3A_76 step %scan3A_77  : i32 {
      %mul3A_80 = arith.constant 2 : i32
      %mul3A_81 = arith.muli %mul3A_80, %scan3A_79 : i32
      %mul3A_82 = arith.constant 128 : i32
      %mul3A_83 = arith.muli %mul3A_81, %mul3A_82 : i32
      %add3A_84 = arith.addi %mul3A_42, %mul3A_83 : i32
      %dma_wait3A = arith.constant 0 : i32
      %dma_wait3A_85 = arith.constant 0 : i32
      %dma_wait3A_86 = arith.constant 0 : i32
      %dma_wait3A_87 = tpu.memref_slice %arg9[%dma_wait3A, %dma_wait3A_85, %dma_wait3A_86] : memref<2x128x128xf32, #tpu.memory_space<vmem>> -> memref<1x128x128xf32, #tpu.memory_space<vmem>>
      %dma_wait3A_88 = tpu.memref_squeeze %dma_wait3A_87 : memref<1x128x128xf32, #tpu.memory_space<vmem>> -> memref<128x128xf32, #tpu.memory_space<vmem>>
      %dma_wait3A_89 = arith.constant 0 : i32
      %dma_wait3A_90 = tpu.memref_slice %arg3[%add3A_84, %dma_wait3A_89] : memref<98304x128xf32, #tpu.memory_space<hbm>> -> memref<128x128xf32, #tpu.memory_space<hbm>>
      %dma_wait3A_91 = arith.constant 0 : i32
      %dma_wait3A_92 = arith.constant 0 : i32
      %dma_wait3A_93 = tpu.memref_slice %arg9[%dma_wait3A, %dma_wait3A_91, %dma_wait3A_92] : memref<2x128x128xf32, #tpu.memory_space<vmem>> -> memref<1x128x128xf32, #tpu.memory_space<vmem>>
      %dma_wait3A_94 = tpu.memref_squeeze %dma_wait3A_93 : memref<1x128x128xf32, #tpu.memory_space<vmem>> -> memref<128x128xf32, #tpu.memory_space<vmem>>
      %dma_wait3A_95 = arith.constant 0 : i32
      %dma_wait3A_96 = tpu.memref_slice %arg3[%add3A_84, %dma_wait3A_95] : memref<98304x128xf32, #tpu.memory_space<hbm>> -> memref<128x128xf32, #tpu.memory_space<hbm>>
      tpu.wait_dma2 semaphore(%arg10 : memref<!tpu.dma_semaphore, #tpu.memory_space<semaphore_mem>>) src(%dma_wait3A_96 : memref<128x128xf32, #tpu.memory_space<hbm>>) dst(%dma_wait3A_94 : memref<128x128xf32, #tpu.memory_space<vmem>>)
      %run_scoped3A = arith.constant 0 : i32
      "tpu.region"() ({
        %run_scoped3A_129 = tpu.sem_alloc : memref<!tpu.dma_semaphore, #tpu.memory_space<semaphore_mem>>
        %dma_start3A_130 = arith.constant 0 : i32
        %dma_start3A_131 = arith.constant 0 : i32
        %dma_start3A_132 = tpu.memref_slice %arg9[%run_scoped3A, %dma_start3A_130, %dma_start3A_131] : memref<2x128x128xf32, #tpu.memory_space<vmem>> -> memref<1x128x128xf32, #tpu.memory_space<vmem>>
        %dma_start3A_133 = tpu.memref_squeeze %dma_start3A_132 : memref<1x128x128xf32, #tpu.memory_space<vmem>> -> memref<128x128xf32, #tpu.memory_space<vmem>>
        %dma_start3A_134 = arith.constant 0 : i32
        %dma_start3A_135 = tpu.memref_slice %arg8[%mul3A_81, %dma_start3A_134] : memref<24x128xi32, #tpu.memory_space<vmem>> -> memref<1x128xi32, #tpu.memory_space<vmem>>
        %dma_start3A_136 = tpu.memref_squeeze %dma_start3A_135 : memref<1x128xi32, #tpu.memory_space<vmem>> -> memref<128xi32, #tpu.memory_space<vmem>>
        %dma_start3A_137 = arith.constant 0 : i32
        %dma_start3A_138 = arith.constant 0 : i32
        %dma_start3A_139 = tpu.memref_slice %arg6[%dma_start3A_137, %dma_start3A_138] : memref<204800x128xf32, #tpu.memory_space<hbm>> -> memref<204800x128xf32, #tpu.memory_space<hbm>>
        tpu.enqueue_indirect_dma source(%dma_start3A_133 : memref<128x128xf32, #tpu.memory_space<vmem>>) target(%dma_start3A_139 : memref<204800x128xf32, #tpu.memory_space<hbm>>) offsets(%dma_start3A_136 : memref<128xi32, #tpu.memory_space<vmem>>) semaphore(%run_scoped3A_129 : memref<!tpu.dma_semaphore, #tpu.memory_space<semaphore_mem>>)
        %dma_wait3A_140 = arith.constant 0 : i32
        %dma_wait3A_141 = arith.constant 0 : i32
        %dma_wait3A_142 = tpu.memref_slice %arg9[%run_scoped3A, %dma_wait3A_140, %dma_wait3A_141] : memref<2x128x128xf32, #tpu.memory_space<vmem>> -> memref<1x128x128xf32, #tpu.memory_space<vmem>>
        %dma_wait3A_143 = tpu.memref_squeeze %dma_wait3A_142 : memref<1x128x128xf32, #tpu.memory_space<vmem>> -> memref<128x128xf32, #tpu.memory_space<vmem>>
        %dma_wait3A_144 = arith.constant 0 : i32
        %dma_wait3A_145 = tpu.memref_slice %arg8[%mul3A_81, %dma_wait3A_144] : memref<24x128xi32, #tpu.memory_space<vmem>> -> memref<1x128xi32, #tpu.memory_space<vmem>>
        %dma_wait3A_146 = tpu.memref_squeeze %dma_wait3A_145 : memref<1x128xi32, #tpu.memory_space<vmem>> -> memref<128xi32, #tpu.memory_space<vmem>>
        %dma_wait3A_147 = arith.constant 0 : i32
        %dma_wait3A_148 = arith.constant 0 : i32
        %dma_wait3A_149 = tpu.memref_slice %arg6[%dma_wait3A_147, %dma_wait3A_148] : memref<204800x128xf32, #tpu.memory_space<hbm>> -> memref<204800x128xf32, #tpu.memory_space<hbm>>
        tpu.wait_indirect_dma semaphore(%run_scoped3A_129 : memref<!tpu.dma_semaphore, #tpu.memory_space<semaphore_mem>>) src(%dma_wait3A_143 : memref<128x128xf32, #tpu.memory_space<vmem>>) dst(%dma_wait3A_149 : memref<204800x128xf32, #tpu.memory_space<hbm>>)
        tpu.yield
      }) : () -> ()
      %add3A_97 = arith.constant 2 : i32
      %add3A_98 = arith.addi %mul3A_81, %add3A_97 : i32
      %lt3A = arith.constant 24 : i32
      %lt3A_99 = arith.cmpi slt, %add3A_98, %lt3A : i32
      %convert_element_type3A = arith.extui %lt3A_99 : i1 to i32
      %cond3A = arith.constant 0 : i32
      %cond3A_100 = arith.cmpi ne, %convert_element_type3A, %cond3A : i32
      scf.if %cond3A_100 {
        %add3A_129 = arith.constant 2 : i32
        %add3A_130 = arith.addi %mul3A_81, %add3A_129 : i32
        %mul3A_131 = arith.constant 128 : i32
        %mul3A_132 = arith.muli %add3A_130, %mul3A_131 : i32
        %add3A_133 = arith.addi %mul3A_42, %mul3A_132 : i32
        %dma_start3A_134 = arith.constant 0 : i32
        %dma_start3A_135 = arith.constant 0 : i32
        %dma_start3A_136 = arith.constant 0 : i32
        %dma_start3A_137 = tpu.memref_slice %arg9[%dma_start3A_134, %dma_start3A_135, %dma_start3A_136] : memref<2x128x128xf32, #tpu.memory_space<vmem>> -> memref<1x128x128xf32, #tpu.memory_space<vmem>>
        %dma_start3A_138 = tpu.memref_squeeze %dma_start3A_137 : memref<1x128x128xf32, #tpu.memory_space<vmem>> -> memref<128x128xf32, #tpu.memory_space<vmem>>
        %dma_start3A_139 = arith.constant 0 : i32
        %dma_start3A_140 = tpu.memref_slice %arg3[%add3A_133, %dma_start3A_139] : memref<98304x128xf32, #tpu.memory_space<hbm>> -> memref<128x128xf32, #tpu.memory_space<hbm>>
        %dma_start3A_141 = arith.constant 0 : i32
        %dma_start3A_142 = arith.constant 0 : i32
        %dma_start3A_143 = tpu.memref_slice %arg9[%dma_start3A_134, %dma_start3A_141, %dma_start3A_142] : memref<2x128x128xf32, #tpu.memory_space<vmem>> -> memref<1x128x128xf32, #tpu.memory_space<vmem>>
        %dma_start3A_144 = tpu.memref_squeeze %dma_start3A_143 : memref<1x128x128xf32, #tpu.memory_space<vmem>> -> memref<128x128xf32, #tpu.memory_space<vmem>>
        %dma_start3A_145 = arith.constant 0 : i32
        %dma_start3A_146 = tpu.memref_slice %arg3[%add3A_133, %dma_start3A_145] : memref<98304x128xf32, #tpu.memory_space<hbm>> -> memref<128x128xf32, #tpu.memory_space<hbm>>
        tpu.enqueue_dma source(%dma_start3A_146 : memref<128x128xf32, #tpu.memory_space<hbm>>) target(%dma_start3A_144 : memref<128x128xf32, #tpu.memory_space<vmem>>) target_semaphore(%arg10 : memref<!tpu.dma_semaphore, #tpu.memory_space<semaphore_mem>>)
      } else {
      }
      %add3A_101 = arith.constant 1 : i32
      %add3A_102 = arith.addi %mul3A_81, %add3A_101 : i32
      %mul3A_103 = arith.constant 128 : i32
      %mul3A_104 = arith.muli %add3A_102, %mul3A_103 : i32
      %add3A_105 = arith.addi %mul3A_42, %mul3A_104 : i32
      %dma_wait3A_106 = arith.constant 1 : i32
      %dma_wait3A_107 = arith.constant 0 : i32
      %dma_wait3A_108 = arith.constant 0 : i32
      %dma_wait3A_109 = tpu.memref_slice %arg9[%dma_wait3A_106, %dma_wait3A_107, %dma_wait3A_108] : memref<2x128x128xf32, #tpu.memory_space<vmem>> -> memref<1x128x128xf32, #tpu.memory_space<vmem>>
      %dma_wait3A_110 = tpu.memref_squeeze %dma_wait3A_109 : memref<1x128x128xf32, #tpu.memory_space<vmem>> -> memref<128x128xf32, #tpu.memory_space<vmem>>
      %dma_wait3A_111 = arith.constant 0 : i32
      %dma_wait3A_112 = tpu.memref_slice %arg3[%add3A_105, %dma_wait3A_111] : memref<98304x128xf32, #tpu.memory_space<hbm>> -> memref<128x128xf32, #tpu.memory_space<hbm>>
      %dma_wait3A_113 = arith.constant 0 : i32
      %dma_wait3A_114 = arith.constant 0 : i32
      %dma_wait3A_115 = tpu.memref_slice %arg9[%dma_wait3A_106, %dma_wait3A_113, %dma_wait3A_114] : memref<2x128x128xf32, #tpu.memory_space<vmem>> -> memref<1x128x128xf32, #tpu.memory_space<vmem>>
      %dma_wait3A_116 = tpu.memref_squeeze %dma_wait3A_115 : memref<1x128x128xf32, #tpu.memory_space<vmem>> -> memref<128x128xf32, #tpu.memory_space<vmem>>
      %dma_wait3A_117 = arith.constant 0 : i32
      %dma_wait3A_118 = tpu.memref_slice %arg3[%add3A_105, %dma_wait3A_117] : memref<98304x128xf32, #tpu.memory_space<hbm>> -> memref<128x128xf32, #tpu.memory_space<hbm>>
      tpu.wait_dma2 semaphore(%arg11 : memref<!tpu.dma_semaphore, #tpu.memory_space<semaphore_mem>>) src(%dma_wait3A_118 : memref<128x128xf32, #tpu.memory_space<hbm>>) dst(%dma_wait3A_116 : memref<128x128xf32, #tpu.memory_space<vmem>>)
      %add3A_119 = arith.constant 1 : i32
      %add3A_120 = arith.addi %mul3A_81, %add3A_119 : i32
      %run_scoped3A_121 = arith.constant 1 : i32
      "tpu.region"() ({
        %run_scoped3A_129 = tpu.sem_alloc : memref<!tpu.dma_semaphore, #tpu.memory_space<semaphore_mem>>
        %dma_start3A_130 = arith.constant 0 : i32
        %dma_start3A_131 = arith.constant 0 : i32
        %dma_start3A_132 = tpu.memref_slice %arg9[%run_scoped3A_121, %dma_start3A_130, %dma_start3A_131] : memref<2x128x128xf32, #tpu.memory_space<vmem>> -> memref<1x128x128xf32, #tpu.memory_space<vmem>>
        %dma_start3A_133 = tpu.memref_squeeze %dma_start3A_132 : memref<1x128x128xf32, #tpu.memory_space<vmem>> -> memref<128x128xf32, #tpu.memory_space<vmem>>
        %dma_start3A_134 = arith.constant 0 : i32
        %dma_start3A_135 = tpu.memref_slice %arg8[%add3A_120, %dma_start3A_134] : memref<24x128xi32, #tpu.memory_space<vmem>> -> memref<1x128xi32, #tpu.memory_space<vmem>>
        %dma_start3A_136 = tpu.memref_squeeze %dma_start3A_135 : memref<1x128xi32, #tpu.memory_space<vmem>> -> memref<128xi32, #tpu.memory_space<vmem>>
        %dma_start3A_137 = arith.constant 0 : i32
        %dma_start3A_138 = arith.constant 0 : i32
        %dma_start3A_139 = tpu.memref_slice %arg6[%dma_start3A_137, %dma_start3A_138] : memref<204800x128xf32, #tpu.memory_space<hbm>> -> memref<204800x128xf32, #tpu.memory_space<hbm>>
        tpu.enqueue_indirect_dma source(%dma_start3A_133 : memref<128x128xf32, #tpu.memory_space<vmem>>) target(%dma_start3A_139 : memref<204800x128xf32, #tpu.memory_space<hbm>>) offsets(%dma_start3A_136 : memref<128xi32, #tpu.memory_space<vmem>>) semaphore(%run_scoped3A_129 : memref<!tpu.dma_semaphore, #tpu.memory_space<semaphore_mem>>)
        %dma_wait3A_140 = arith.constant 0 : i32
        %dma_wait3A_141 = arith.constant 0 : i32
        %dma_wait3A_142 = tpu.memref_slice %arg9[%run_scoped3A_121, %dma_wait3A_140, %dma_wait3A_141] : memref<2x128x128xf32, #tpu.memory_space<vmem>> -> memref<1x128x128xf32, #tpu.memory_space<vmem>>
        %dma_wait3A_143 = tpu.memref_squeeze %dma_wait3A_142 : memref<1x128x128xf32, #tpu.memory_space<vmem>> -> memref<128x128xf32, #tpu.memory_space<vmem>>
        %dma_wait3A_144 = arith.constant 0 : i32
        %dma_wait3A_145 = tpu.memref_slice %arg8[%add3A_120, %dma_wait3A_144] : memref<24x128xi32, #tpu.memory_space<vmem>> -> memref<1x128xi32, #tpu.memory_space<vmem>>
        %dma_wait3A_146 = tpu.memref_squeeze %dma_wait3A_145 : memref<1x128xi32, #tpu.memory_space<vmem>> -> memref<128xi32, #tpu.memory_space<vmem>>
        %dma_wait3A_147 = arith.constant 0 : i32
        %dma_wait3A_148 = arith.constant 0 : i32
        %dma_wait3A_149 = tpu.memref_slice %arg6[%dma_wait3A_147, %dma_wait3A_148] : memref<204800x128xf32, #tpu.memory_space<hbm>> -> memref<204800x128xf32, #tpu.memory_space<hbm>>
        tpu.wait_indirect_dma semaphore(%run_scoped3A_129 : memref<!tpu.dma_semaphore, #tpu.memory_space<semaphore_mem>>) src(%dma_wait3A_143 : memref<128x128xf32, #tpu.memory_space<vmem>>) dst(%dma_wait3A_149 : memref<204800x128xf32, #tpu.memory_space<hbm>>)
        tpu.yield
      }) : () -> ()
      %add3A_122 = arith.constant 3 : i32
      %add3A_123 = arith.addi %mul3A_81, %add3A_122 : i32
      %lt3A_124 = arith.constant 24 : i32
      %lt3A_125 = arith.cmpi slt, %add3A_123, %lt3A_124 : i32
      %convert_element_type3A_126 = arith.extui %lt3A_125 : i1 to i32
      %cond3A_127 = arith.constant 0 : i32
      %cond3A_128 = arith.cmpi ne, %convert_element_type3A_126, %cond3A_127 : i32
      scf.if %cond3A_128 {
        %add3A_129 = arith.constant 3 : i32
        %add3A_130 = arith.addi %mul3A_81, %add3A_129 : i32
        %mul3A_131 = arith.constant 128 : i32
        %mul3A_132 = arith.muli %add3A_130, %mul3A_131 : i32
        %add3A_133 = arith.addi %mul3A_42, %mul3A_132 : i32
        %dma_start3A_134 = arith.constant 1 : i32
        %dma_start3A_135 = arith.constant 0 : i32
        %dma_start3A_136 = arith.constant 0 : i32
        %dma_start3A_137 = tpu.memref_slice %arg9[%dma_start3A_134, %dma_start3A_135, %dma_start3A_136] : memref<2x128x128xf32, #tpu.memory_space<vmem>> -> memref<1x128x128xf32, #tpu.memory_space<vmem>>
        %dma_start3A_138 = tpu.memref_squeeze %dma_start3A_137 : memref<1x128x128xf32, #tpu.memory_space<vmem>> -> memref<128x128xf32, #tpu.memory_space<vmem>>
        %dma_start3A_139 = arith.constant 0 : i32
        %dma_start3A_140 = tpu.memref_slice %arg3[%add3A_133, %dma_start3A_139] : memref<98304x128xf32, #tpu.memory_space<hbm>> -> memref<128x128xf32, #tpu.memory_space<hbm>>
        %dma_start3A_141 = arith.constant 0 : i32
        %dma_start3A_142 = arith.constant 0 : i32
        %dma_start3A_143 = tpu.memref_slice %arg9[%dma_start3A_134, %dma_start3A_141, %dma_start3A_142] : memref<2x128x128xf32, #tpu.memory_space<vmem>> -> memref<1x128x128xf32, #tpu.memory_space<vmem>>
        %dma_start3A_144 = tpu.memref_squeeze %dma_start3A_143 : memref<1x128x128xf32, #tpu.memory_space<vmem>> -> memref<128x128xf32, #tpu.memory_space<vmem>>
        %dma_start3A_145 = arith.constant 0 : i32
        %dma_start3A_146 = tpu.memref_slice %arg3[%add3A_133, %dma_start3A_145] : memref<98304x128xf32, #tpu.memory_space<hbm>> -> memref<128x128xf32, #tpu.memory_space<hbm>>
        tpu.enqueue_dma source(%dma_start3A_146 : memref<128x128xf32, #tpu.memory_space<hbm>>) target(%dma_start3A_144 : memref<128x128xf32, #tpu.memory_space<vmem>>) target_semaphore(%arg11 : memref<!tpu.dma_semaphore, #tpu.memory_space<semaphore_mem>>)
      } else {
      }
    }
    %scan3A_78 = arith.constant 12 : i32
    return
  }
}

#map = affine_map<(d0, d1) -> (0, 0)>
#map1 = affine_map<(d0, d1) -> (0, 0, 0)>
module attributes {stable_mosaic.version = 14 : i64} {
  func.func @_gather_body(%arg0: i32, %arg1: i32, %arg2: memref<100000x64xf32, #tpu.memory_space<hbm>>, %arg3: memref<32x26x128xi32, #tpu.memory_space<hbm>>, %arg4: memref<32x26x128xi32, #tpu.memory_space<hbm>>, %arg5: memref<106496x64xf32, #tpu.memory_space<hbm>>, %arg6: memref<26x128xi32, #tpu.memory_space<vmem>>, %arg7: memref<26x128xi32, #tpu.memory_space<vmem>>, %arg8: memref<2x128x64xf32, #tpu.memory_space<vmem>>, %arg9: memref<!tpu.dma_semaphore, #tpu.memory_space<semaphore_mem>>, %arg10: memref<!tpu.dma_semaphore, #tpu.memory_space<semaphore_mem>>) attributes {dimension_semantics = [#tpu.dimension_semantics<core_parallel>, #tpu.dimension_semantics<subcore_parallel>], iteration_bounds = array<i64: 2, 16>, scalar_prefetch = 0 : i64, scratch_operands = 5 : i64, tpu.core_type = #tpu.core_type<sc_vector_subcore>, window_params = [{transform_indices = #map}, {transform_indices = #map1}, {transform_indices = #map1}, {transform_indices = #map}]} {
    %mul3A = arith.constant 2 : i32
    %mul3A_0 = arith.muli %arg1, %mul3A : i32
    %add3A = arith.addi %mul3A_0, %arg0 : i32
    "tpu.region"() ({
      %run_scoped3A = tpu.sem_alloc : memref<!tpu.dma_semaphore, #tpu.memory_space<semaphore_mem>>
      %dma_start3A_29 = arith.constant 0 : i32
      %dma_start3A_30 = arith.constant 0 : i32
      %dma_start3A_31 = tpu.memref_slice %arg3[%add3A, %dma_start3A_29, %dma_start3A_30] : memref<32x26x128xi32, #tpu.memory_space<hbm>> -> memref<1x26x128xi32, #tpu.memory_space<hbm>>
      %dma_start3A_32 = tpu.memref_squeeze %dma_start3A_31 : memref<1x26x128xi32, #tpu.memory_space<hbm>> -> memref<26x128xi32, #tpu.memory_space<hbm>>
      %dma_start3A_33 = arith.constant 0 : i32
      %dma_start3A_34 = arith.constant 0 : i32
      %dma_start3A_35 = tpu.memref_slice %arg3[%add3A, %dma_start3A_33, %dma_start3A_34] : memref<32x26x128xi32, #tpu.memory_space<hbm>> -> memref<1x26x128xi32, #tpu.memory_space<hbm>>
      %dma_start3A_36 = tpu.memref_squeeze %dma_start3A_35 : memref<1x26x128xi32, #tpu.memory_space<hbm>> -> memref<26x128xi32, #tpu.memory_space<hbm>>
      tpu.enqueue_dma source(%dma_start3A_36 : memref<26x128xi32, #tpu.memory_space<hbm>>) target(%arg6 : memref<26x128xi32, #tpu.memory_space<vmem>>) target_semaphore(%run_scoped3A : memref<!tpu.dma_semaphore, #tpu.memory_space<semaphore_mem>>)
      %dma_wait3A = arith.constant 0 : i32
      %dma_wait3A_37 = arith.constant 0 : i32
      %dma_wait3A_38 = tpu.memref_slice %arg3[%add3A, %dma_wait3A, %dma_wait3A_37] : memref<32x26x128xi32, #tpu.memory_space<hbm>> -> memref<1x26x128xi32, #tpu.memory_space<hbm>>
      %dma_wait3A_39 = tpu.memref_squeeze %dma_wait3A_38 : memref<1x26x128xi32, #tpu.memory_space<hbm>> -> memref<26x128xi32, #tpu.memory_space<hbm>>
      %dma_wait3A_40 = arith.constant 0 : i32
      %dma_wait3A_41 = arith.constant 0 : i32
      %dma_wait3A_42 = tpu.memref_slice %arg3[%add3A, %dma_wait3A_40, %dma_wait3A_41] : memref<32x26x128xi32, #tpu.memory_space<hbm>> -> memref<1x26x128xi32, #tpu.memory_space<hbm>>
      %dma_wait3A_43 = tpu.memref_squeeze %dma_wait3A_42 : memref<1x26x128xi32, #tpu.memory_space<hbm>> -> memref<26x128xi32, #tpu.memory_space<hbm>>
      tpu.wait_dma2 semaphore(%run_scoped3A : memref<!tpu.dma_semaphore, #tpu.memory_space<semaphore_mem>>) src(%dma_wait3A_43 : memref<26x128xi32, #tpu.memory_space<hbm>>) dst(%arg6 : memref<26x128xi32, #tpu.memory_space<vmem>>)
      tpu.yield
    }) : () -> ()
    "tpu.region"() ({
      %run_scoped3A = tpu.sem_alloc : memref<!tpu.dma_semaphore, #tpu.memory_space<semaphore_mem>>
      %dma_start3A_29 = arith.constant 0 : i32
      %dma_start3A_30 = arith.constant 0 : i32
      %dma_start3A_31 = tpu.memref_slice %arg4[%add3A, %dma_start3A_29, %dma_start3A_30] : memref<32x26x128xi32, #tpu.memory_space<hbm>> -> memref<1x26x128xi32, #tpu.memory_space<hbm>>
      %dma_start3A_32 = tpu.memref_squeeze %dma_start3A_31 : memref<1x26x128xi32, #tpu.memory_space<hbm>> -> memref<26x128xi32, #tpu.memory_space<hbm>>
      %dma_start3A_33 = arith.constant 0 : i32
      %dma_start3A_34 = arith.constant 0 : i32
      %dma_start3A_35 = tpu.memref_slice %arg4[%add3A, %dma_start3A_33, %dma_start3A_34] : memref<32x26x128xi32, #tpu.memory_space<hbm>> -> memref<1x26x128xi32, #tpu.memory_space<hbm>>
      %dma_start3A_36 = tpu.memref_squeeze %dma_start3A_35 : memref<1x26x128xi32, #tpu.memory_space<hbm>> -> memref<26x128xi32, #tpu.memory_space<hbm>>
      tpu.enqueue_dma source(%dma_start3A_36 : memref<26x128xi32, #tpu.memory_space<hbm>>) target(%arg7 : memref<26x128xi32, #tpu.memory_space<vmem>>) target_semaphore(%run_scoped3A : memref<!tpu.dma_semaphore, #tpu.memory_space<semaphore_mem>>)
      %dma_wait3A = arith.constant 0 : i32
      %dma_wait3A_37 = arith.constant 0 : i32
      %dma_wait3A_38 = tpu.memref_slice %arg4[%add3A, %dma_wait3A, %dma_wait3A_37] : memref<32x26x128xi32, #tpu.memory_space<hbm>> -> memref<1x26x128xi32, #tpu.memory_space<hbm>>
      %dma_wait3A_39 = tpu.memref_squeeze %dma_wait3A_38 : memref<1x26x128xi32, #tpu.memory_space<hbm>> -> memref<26x128xi32, #tpu.memory_space<hbm>>
      %dma_wait3A_40 = arith.constant 0 : i32
      %dma_wait3A_41 = arith.constant 0 : i32
      %dma_wait3A_42 = tpu.memref_slice %arg4[%add3A, %dma_wait3A_40, %dma_wait3A_41] : memref<32x26x128xi32, #tpu.memory_space<hbm>> -> memref<1x26x128xi32, #tpu.memory_space<hbm>>
      %dma_wait3A_43 = tpu.memref_squeeze %dma_wait3A_42 : memref<1x26x128xi32, #tpu.memory_space<hbm>> -> memref<26x128xi32, #tpu.memory_space<hbm>>
      tpu.wait_dma2 semaphore(%run_scoped3A : memref<!tpu.dma_semaphore, #tpu.memory_space<semaphore_mem>>) src(%dma_wait3A_43 : memref<26x128xi32, #tpu.memory_space<hbm>>) dst(%arg7 : memref<26x128xi32, #tpu.memory_space<vmem>>)
      tpu.yield
    }) : () -> ()
    %dma_start3A = arith.constant 0 : i32
    %dma_start3A_1 = arith.constant 0 : i32
    %dma_start3A_2 = arith.constant 0 : i32
    %dma_start3A_3 = arith.constant 0 : i32
    %dma_start3A_4 = tpu.memref_slice %arg8[%dma_start3A_1, %dma_start3A_2, %dma_start3A_3] : memref<2x128x64xf32, #tpu.memory_space<vmem>> -> memref<1x128x64xf32, #tpu.memory_space<vmem>>
    %dma_start3A_5 = tpu.memref_squeeze %dma_start3A_4 : memref<1x128x64xf32, #tpu.memory_space<vmem>> -> memref<128x64xf32, #tpu.memory_space<vmem>>
    %dma_start3A_6 = arith.constant 0 : i32
    %dma_start3A_7 = tpu.memref_slice %arg6[%dma_start3A, %dma_start3A_6] : memref<26x128xi32, #tpu.memory_space<vmem>> -> memref<1x128xi32, #tpu.memory_space<vmem>>
    %dma_start3A_8 = tpu.memref_squeeze %dma_start3A_7 : memref<1x128xi32, #tpu.memory_space<vmem>> -> memref<128xi32, #tpu.memory_space<vmem>>
    %dma_start3A_9 = arith.constant 0 : i32
    %dma_start3A_10 = arith.constant 0 : i32
    %dma_start3A_11 = tpu.memref_slice %arg2[%dma_start3A_9, %dma_start3A_10] : memref<100000x64xf32, #tpu.memory_space<hbm>> -> memref<100000x64xf32, #tpu.memory_space<hbm>>
    tpu.enqueue_indirect_dma source(%dma_start3A_11 : memref<100000x64xf32, #tpu.memory_space<hbm>>) target(%dma_start3A_5 : memref<128x64xf32, #tpu.memory_space<vmem>>) offsets(%dma_start3A_8 : memref<128xi32, #tpu.memory_space<vmem>>) semaphore(%arg9 : memref<!tpu.dma_semaphore, #tpu.memory_space<semaphore_mem>>)
    %dma_start3A_12 = arith.constant 1 : i32
    %dma_start3A_13 = arith.constant 1 : i32
    %dma_start3A_14 = arith.constant 0 : i32
    %dma_start3A_15 = arith.constant 0 : i32
    %dma_start3A_16 = tpu.memref_slice %arg8[%dma_start3A_13, %dma_start3A_14, %dma_start3A_15] : memref<2x128x64xf32, #tpu.memory_space<vmem>> -> memref<1x128x64xf32, #tpu.memory_space<vmem>>
    %dma_start3A_17 = tpu.memref_squeeze %dma_start3A_16 : memref<1x128x64xf32, #tpu.memory_space<vmem>> -> memref<128x64xf32, #tpu.memory_space<vmem>>
    %dma_start3A_18 = arith.constant 0 : i32
    %dma_start3A_19 = tpu.memref_slice %arg6[%dma_start3A_12, %dma_start3A_18] : memref<26x128xi32, #tpu.memory_space<vmem>> -> memref<1x128xi32, #tpu.memory_space<vmem>>
    %dma_start3A_20 = tpu.memref_squeeze %dma_start3A_19 : memref<1x128xi32, #tpu.memory_space<vmem>> -> memref<128xi32, #tpu.memory_space<vmem>>
    %dma_start3A_21 = arith.constant 0 : i32
    %dma_start3A_22 = arith.constant 0 : i32
    %dma_start3A_23 = tpu.memref_slice %arg2[%dma_start3A_21, %dma_start3A_22] : memref<100000x64xf32, #tpu.memory_space<hbm>> -> memref<100000x64xf32, #tpu.memory_space<hbm>>
    tpu.enqueue_indirect_dma source(%dma_start3A_23 : memref<100000x64xf32, #tpu.memory_space<hbm>>) target(%dma_start3A_17 : memref<128x64xf32, #tpu.memory_space<vmem>>) offsets(%dma_start3A_20 : memref<128xi32, #tpu.memory_space<vmem>>) semaphore(%arg10 : memref<!tpu.dma_semaphore, #tpu.memory_space<semaphore_mem>>)
    %scan3A = arith.constant 0 : i32
    %scan3A_24 = arith.constant 0 : i32
    %scan3A_25 = arith.constant 13 : i32
    %scan3A_26 = arith.addi %scan3A_24, %scan3A_25 : i32
    %scan3A_27 = arith.constant 1 : i32
    scf.for %scan3A_29 = %scan3A_24 to %scan3A_26 step %scan3A_27  : i32 {
      %mul3A_30 = arith.constant 2 : i32
      %mul3A_31 = arith.muli %mul3A_30, %scan3A_29 : i32
      %dma_wait3A = arith.constant 0 : i32
      %dma_wait3A_32 = arith.constant 0 : i32
      %dma_wait3A_33 = arith.constant 0 : i32
      %dma_wait3A_34 = tpu.memref_slice %arg8[%dma_wait3A, %dma_wait3A_32, %dma_wait3A_33] : memref<2x128x64xf32, #tpu.memory_space<vmem>> -> memref<1x128x64xf32, #tpu.memory_space<vmem>>
      %dma_wait3A_35 = tpu.memref_squeeze %dma_wait3A_34 : memref<1x128x64xf32, #tpu.memory_space<vmem>> -> memref<128x64xf32, #tpu.memory_space<vmem>>
      %dma_wait3A_36 = arith.constant 0 : i32
      %dma_wait3A_37 = tpu.memref_slice %arg6[%mul3A_31, %dma_wait3A_36] : memref<26x128xi32, #tpu.memory_space<vmem>> -> memref<1x128xi32, #tpu.memory_space<vmem>>
      %dma_wait3A_38 = tpu.memref_squeeze %dma_wait3A_37 : memref<1x128xi32, #tpu.memory_space<vmem>> -> memref<128xi32, #tpu.memory_space<vmem>>
      %dma_wait3A_39 = arith.constant 0 : i32
      %dma_wait3A_40 = arith.constant 0 : i32
      %dma_wait3A_41 = tpu.memref_slice %arg2[%dma_wait3A_39, %dma_wait3A_40] : memref<100000x64xf32, #tpu.memory_space<hbm>> -> memref<100000x64xf32, #tpu.memory_space<hbm>>
      tpu.wait_indirect_dma semaphore(%arg9 : memref<!tpu.dma_semaphore, #tpu.memory_space<semaphore_mem>>) src(%dma_wait3A_41 : memref<100000x64xf32, #tpu.memory_space<hbm>>) dst(%dma_wait3A_35 : memref<128x64xf32, #tpu.memory_space<vmem>>)
      %run_scoped3A = arith.constant 0 : i32
      "tpu.region"() ({
        %run_scoped3A_69 = tpu.sem_alloc : memref<!tpu.dma_semaphore, #tpu.memory_space<semaphore_mem>>
        %dma_start3A_70 = arith.constant 0 : i32
        %dma_start3A_71 = arith.constant 0 : i32
        %dma_start3A_72 = tpu.memref_slice %arg8[%run_scoped3A, %dma_start3A_70, %dma_start3A_71] : memref<2x128x64xf32, #tpu.memory_space<vmem>> -> memref<1x128x64xf32, #tpu.memory_space<vmem>>
        %dma_start3A_73 = tpu.memref_squeeze %dma_start3A_72 : memref<1x128x64xf32, #tpu.memory_space<vmem>> -> memref<128x64xf32, #tpu.memory_space<vmem>>
        %dma_start3A_74 = arith.constant 0 : i32
        %dma_start3A_75 = tpu.memref_slice %arg7[%mul3A_31, %dma_start3A_74] : memref<26x128xi32, #tpu.memory_space<vmem>> -> memref<1x128xi32, #tpu.memory_space<vmem>>
        %dma_start3A_76 = tpu.memref_squeeze %dma_start3A_75 : memref<1x128xi32, #tpu.memory_space<vmem>> -> memref<128xi32, #tpu.memory_space<vmem>>
        %dma_start3A_77 = arith.constant 0 : i32
        %dma_start3A_78 = arith.constant 0 : i32
        %dma_start3A_79 = tpu.memref_slice %arg5[%dma_start3A_77, %dma_start3A_78] : memref<106496x64xf32, #tpu.memory_space<hbm>> -> memref<106496x64xf32, #tpu.memory_space<hbm>>
        tpu.enqueue_indirect_dma source(%dma_start3A_73 : memref<128x64xf32, #tpu.memory_space<vmem>>) target(%dma_start3A_79 : memref<106496x64xf32, #tpu.memory_space<hbm>>) offsets(%dma_start3A_76 : memref<128xi32, #tpu.memory_space<vmem>>) semaphore(%run_scoped3A_69 : memref<!tpu.dma_semaphore, #tpu.memory_space<semaphore_mem>>)
        %dma_wait3A_80 = arith.constant 0 : i32
        %dma_wait3A_81 = arith.constant 0 : i32
        %dma_wait3A_82 = tpu.memref_slice %arg8[%run_scoped3A, %dma_wait3A_80, %dma_wait3A_81] : memref<2x128x64xf32, #tpu.memory_space<vmem>> -> memref<1x128x64xf32, #tpu.memory_space<vmem>>
        %dma_wait3A_83 = tpu.memref_squeeze %dma_wait3A_82 : memref<1x128x64xf32, #tpu.memory_space<vmem>> -> memref<128x64xf32, #tpu.memory_space<vmem>>
        %dma_wait3A_84 = arith.constant 0 : i32
        %dma_wait3A_85 = tpu.memref_slice %arg7[%mul3A_31, %dma_wait3A_84] : memref<26x128xi32, #tpu.memory_space<vmem>> -> memref<1x128xi32, #tpu.memory_space<vmem>>
        %dma_wait3A_86 = tpu.memref_squeeze %dma_wait3A_85 : memref<1x128xi32, #tpu.memory_space<vmem>> -> memref<128xi32, #tpu.memory_space<vmem>>
        %dma_wait3A_87 = arith.constant 0 : i32
        %dma_wait3A_88 = arith.constant 0 : i32
        %dma_wait3A_89 = tpu.memref_slice %arg5[%dma_wait3A_87, %dma_wait3A_88] : memref<106496x64xf32, #tpu.memory_space<hbm>> -> memref<106496x64xf32, #tpu.memory_space<hbm>>
        tpu.wait_indirect_dma semaphore(%run_scoped3A_69 : memref<!tpu.dma_semaphore, #tpu.memory_space<semaphore_mem>>) src(%dma_wait3A_83 : memref<128x64xf32, #tpu.memory_space<vmem>>) dst(%dma_wait3A_89 : memref<106496x64xf32, #tpu.memory_space<hbm>>)
        tpu.yield
      }) : () -> ()
      %add3A_42 = arith.constant 2 : i32
      %add3A_43 = arith.addi %mul3A_31, %add3A_42 : i32
      %lt3A = arith.constant 26 : i32
      %lt3A_44 = arith.cmpi slt, %add3A_43, %lt3A : i32
      %convert_element_type3A = arith.extui %lt3A_44 : i1 to i32
      %cond3A = arith.constant 0 : i32
      %cond3A_45 = arith.cmpi ne, %convert_element_type3A, %cond3A : i32
      scf.if %cond3A_45 {
        %add3A_69 = arith.constant 2 : i32
        %add3A_70 = arith.addi %mul3A_31, %add3A_69 : i32
        %dma_start3A_71 = arith.constant 0 : i32
        %dma_start3A_72 = arith.constant 0 : i32
        %dma_start3A_73 = arith.constant 0 : i32
        %dma_start3A_74 = tpu.memref_slice %arg8[%dma_start3A_71, %dma_start3A_72, %dma_start3A_73] : memref<2x128x64xf32, #tpu.memory_space<vmem>> -> memref<1x128x64xf32, #tpu.memory_space<vmem>>
        %dma_start3A_75 = tpu.memref_squeeze %dma_start3A_74 : memref<1x128x64xf32, #tpu.memory_space<vmem>> -> memref<128x64xf32, #tpu.memory_space<vmem>>
        %dma_start3A_76 = arith.constant 0 : i32
        %dma_start3A_77 = tpu.memref_slice %arg6[%add3A_70, %dma_start3A_76] : memref<26x128xi32, #tpu.memory_space<vmem>> -> memref<1x128xi32, #tpu.memory_space<vmem>>
        %dma_start3A_78 = tpu.memref_squeeze %dma_start3A_77 : memref<1x128xi32, #tpu.memory_space<vmem>> -> memref<128xi32, #tpu.memory_space<vmem>>
        %dma_start3A_79 = arith.constant 0 : i32
        %dma_start3A_80 = arith.constant 0 : i32
        %dma_start3A_81 = tpu.memref_slice %arg2[%dma_start3A_79, %dma_start3A_80] : memref<100000x64xf32, #tpu.memory_space<hbm>> -> memref<100000x64xf32, #tpu.memory_space<hbm>>
        tpu.enqueue_indirect_dma source(%dma_start3A_81 : memref<100000x64xf32, #tpu.memory_space<hbm>>) target(%dma_start3A_75 : memref<128x64xf32, #tpu.memory_space<vmem>>) offsets(%dma_start3A_78 : memref<128xi32, #tpu.memory_space<vmem>>) semaphore(%arg9 : memref<!tpu.dma_semaphore, #tpu.memory_space<semaphore_mem>>)
      } else {
      }
      %add3A_46 = arith.constant 1 : i32
      %add3A_47 = arith.addi %mul3A_31, %add3A_46 : i32
      %dma_wait3A_48 = arith.constant 1 : i32
      %dma_wait3A_49 = arith.constant 0 : i32
      %dma_wait3A_50 = arith.constant 0 : i32
      %dma_wait3A_51 = tpu.memref_slice %arg8[%dma_wait3A_48, %dma_wait3A_49, %dma_wait3A_50] : memref<2x128x64xf32, #tpu.memory_space<vmem>> -> memref<1x128x64xf32, #tpu.memory_space<vmem>>
      %dma_wait3A_52 = tpu.memref_squeeze %dma_wait3A_51 : memref<1x128x64xf32, #tpu.memory_space<vmem>> -> memref<128x64xf32, #tpu.memory_space<vmem>>
      %dma_wait3A_53 = arith.constant 0 : i32
      %dma_wait3A_54 = tpu.memref_slice %arg6[%add3A_47, %dma_wait3A_53] : memref<26x128xi32, #tpu.memory_space<vmem>> -> memref<1x128xi32, #tpu.memory_space<vmem>>
      %dma_wait3A_55 = tpu.memref_squeeze %dma_wait3A_54 : memref<1x128xi32, #tpu.memory_space<vmem>> -> memref<128xi32, #tpu.memory_space<vmem>>
      %dma_wait3A_56 = arith.constant 0 : i32
      %dma_wait3A_57 = arith.constant 0 : i32
      %dma_wait3A_58 = tpu.memref_slice %arg2[%dma_wait3A_56, %dma_wait3A_57] : memref<100000x64xf32, #tpu.memory_space<hbm>> -> memref<100000x64xf32, #tpu.memory_space<hbm>>
      tpu.wait_indirect_dma semaphore(%arg10 : memref<!tpu.dma_semaphore, #tpu.memory_space<semaphore_mem>>) src(%dma_wait3A_58 : memref<100000x64xf32, #tpu.memory_space<hbm>>) dst(%dma_wait3A_52 : memref<128x64xf32, #tpu.memory_space<vmem>>)
      %add3A_59 = arith.constant 1 : i32
      %add3A_60 = arith.addi %mul3A_31, %add3A_59 : i32
      %run_scoped3A_61 = arith.constant 1 : i32
      "tpu.region"() ({
        %run_scoped3A_69 = tpu.sem_alloc : memref<!tpu.dma_semaphore, #tpu.memory_space<semaphore_mem>>
        %dma_start3A_70 = arith.constant 0 : i32
        %dma_start3A_71 = arith.constant 0 : i32
        %dma_start3A_72 = tpu.memref_slice %arg8[%run_scoped3A_61, %dma_start3A_70, %dma_start3A_71] : memref<2x128x64xf32, #tpu.memory_space<vmem>> -> memref<1x128x64xf32, #tpu.memory_space<vmem>>
        %dma_start3A_73 = tpu.memref_squeeze %dma_start3A_72 : memref<1x128x64xf32, #tpu.memory_space<vmem>> -> memref<128x64xf32, #tpu.memory_space<vmem>>
        %dma_start3A_74 = arith.constant 0 : i32
        %dma_start3A_75 = tpu.memref_slice %arg7[%add3A_60, %dma_start3A_74] : memref<26x128xi32, #tpu.memory_space<vmem>> -> memref<1x128xi32, #tpu.memory_space<vmem>>
        %dma_start3A_76 = tpu.memref_squeeze %dma_start3A_75 : memref<1x128xi32, #tpu.memory_space<vmem>> -> memref<128xi32, #tpu.memory_space<vmem>>
        %dma_start3A_77 = arith.constant 0 : i32
        %dma_start3A_78 = arith.constant 0 : i32
        %dma_start3A_79 = tpu.memref_slice %arg5[%dma_start3A_77, %dma_start3A_78] : memref<106496x64xf32, #tpu.memory_space<hbm>> -> memref<106496x64xf32, #tpu.memory_space<hbm>>
        tpu.enqueue_indirect_dma source(%dma_start3A_73 : memref<128x64xf32, #tpu.memory_space<vmem>>) target(%dma_start3A_79 : memref<106496x64xf32, #tpu.memory_space<hbm>>) offsets(%dma_start3A_76 : memref<128xi32, #tpu.memory_space<vmem>>) semaphore(%run_scoped3A_69 : memref<!tpu.dma_semaphore, #tpu.memory_space<semaphore_mem>>)
        %dma_wait3A_80 = arith.constant 0 : i32
        %dma_wait3A_81 = arith.constant 0 : i32
        %dma_wait3A_82 = tpu.memref_slice %arg8[%run_scoped3A_61, %dma_wait3A_80, %dma_wait3A_81] : memref<2x128x64xf32, #tpu.memory_space<vmem>> -> memref<1x128x64xf32, #tpu.memory_space<vmem>>
        %dma_wait3A_83 = tpu.memref_squeeze %dma_wait3A_82 : memref<1x128x64xf32, #tpu.memory_space<vmem>> -> memref<128x64xf32, #tpu.memory_space<vmem>>
        %dma_wait3A_84 = arith.constant 0 : i32
        %dma_wait3A_85 = tpu.memref_slice %arg7[%add3A_60, %dma_wait3A_84] : memref<26x128xi32, #tpu.memory_space<vmem>> -> memref<1x128xi32, #tpu.memory_space<vmem>>
        %dma_wait3A_86 = tpu.memref_squeeze %dma_wait3A_85 : memref<1x128xi32, #tpu.memory_space<vmem>> -> memref<128xi32, #tpu.memory_space<vmem>>
        %dma_wait3A_87 = arith.constant 0 : i32
        %dma_wait3A_88 = arith.constant 0 : i32
        %dma_wait3A_89 = tpu.memref_slice %arg5[%dma_wait3A_87, %dma_wait3A_88] : memref<106496x64xf32, #tpu.memory_space<hbm>> -> memref<106496x64xf32, #tpu.memory_space<hbm>>
        tpu.wait_indirect_dma semaphore(%run_scoped3A_69 : memref<!tpu.dma_semaphore, #tpu.memory_space<semaphore_mem>>) src(%dma_wait3A_83 : memref<128x64xf32, #tpu.memory_space<vmem>>) dst(%dma_wait3A_89 : memref<106496x64xf32, #tpu.memory_space<hbm>>)
        tpu.yield
      }) : () -> ()
      %add3A_62 = arith.constant 3 : i32
      %add3A_63 = arith.addi %mul3A_31, %add3A_62 : i32
      %lt3A_64 = arith.constant 26 : i32
      %lt3A_65 = arith.cmpi slt, %add3A_63, %lt3A_64 : i32
      %convert_element_type3A_66 = arith.extui %lt3A_65 : i1 to i32
      %cond3A_67 = arith.constant 0 : i32
      %cond3A_68 = arith.cmpi ne, %convert_element_type3A_66, %cond3A_67 : i32
      scf.if %cond3A_68 {
        %add3A_69 = arith.constant 3 : i32
        %add3A_70 = arith.addi %mul3A_31, %add3A_69 : i32
        %dma_start3A_71 = arith.constant 1 : i32
        %dma_start3A_72 = arith.constant 0 : i32
        %dma_start3A_73 = arith.constant 0 : i32
        %dma_start3A_74 = tpu.memref_slice %arg8[%dma_start3A_71, %dma_start3A_72, %dma_start3A_73] : memref<2x128x64xf32, #tpu.memory_space<vmem>> -> memref<1x128x64xf32, #tpu.memory_space<vmem>>
        %dma_start3A_75 = tpu.memref_squeeze %dma_start3A_74 : memref<1x128x64xf32, #tpu.memory_space<vmem>> -> memref<128x64xf32, #tpu.memory_space<vmem>>
        %dma_start3A_76 = arith.constant 0 : i32
        %dma_start3A_77 = tpu.memref_slice %arg6[%add3A_70, %dma_start3A_76] : memref<26x128xi32, #tpu.memory_space<vmem>> -> memref<1x128xi32, #tpu.memory_space<vmem>>
        %dma_start3A_78 = tpu.memref_squeeze %dma_start3A_77 : memref<1x128xi32, #tpu.memory_space<vmem>> -> memref<128xi32, #tpu.memory_space<vmem>>
        %dma_start3A_79 = arith.constant 0 : i32
        %dma_start3A_80 = arith.constant 0 : i32
        %dma_start3A_81 = tpu.memref_slice %arg2[%dma_start3A_79, %dma_start3A_80] : memref<100000x64xf32, #tpu.memory_space<hbm>> -> memref<100000x64xf32, #tpu.memory_space<hbm>>
        tpu.enqueue_indirect_dma source(%dma_start3A_81 : memref<100000x64xf32, #tpu.memory_space<hbm>>) target(%dma_start3A_75 : memref<128x64xf32, #tpu.memory_space<vmem>>) offsets(%dma_start3A_78 : memref<128xi32, #tpu.memory_space<vmem>>) semaphore(%arg10 : memref<!tpu.dma_semaphore, #tpu.memory_space<semaphore_mem>>)
      } else {
      }
    }
    %scan3A_28 = arith.constant 13 : i32
    return
  }
}

module attributes {stable_mosaic.version = 14 : i64} {
  func.func @_rnn_step(%arg0: i32, %arg1: memref<1x4096x128xf32, #tpu.memory_space<vmem>>, %arg2: memref<4096x64xf32, #tpu.memory_space<vmem>>, %arg3: memref<128x64xf32, #tpu.memory_space<vmem>>, %arg4: memref<128x64xf32, #tpu.memory_space<vmem>>, %arg5: memref<64x64xf32, #tpu.memory_space<vmem>>, %arg6: memref<1x64xf32, #tpu.memory_space<vmem>>, %arg7: memref<64x128xf32, #tpu.memory_space<vmem>>, %arg8: memref<1x128xf32, #tpu.memory_space<vmem>>, %arg9: memref<1x2x1x4096x128xf32, #tpu.memory_space<vmem>>, %arg10: memref<4096x64xf32, #tpu.memory_space<vmem>>) attributes {dimension_semantics = [#tpu.dimension_semantics<arbitrary>], iteration_bounds = array<i64: 13>, scalar_prefetch = 0 : i64, scratch_operands = 0 : i64, tpu.core_type = #tpu.core_type<tc>, window_params = [{transform_indices = @transform_0, window_bounds = array<i64: 1, 4096, 128>}, {pipeline_mode = #tpu.pipeline_mode<synchronous>, transform_indices = @transform_1, window_bounds = array<i64: 4096, 64>}, {pipeline_mode = #tpu.pipeline_mode<synchronous>, transform_indices = @transform_2, window_bounds = array<i64: 128, 64>}, {pipeline_mode = #tpu.pipeline_mode<synchronous>, transform_indices = @transform_3, window_bounds = array<i64: 128, 64>}, {pipeline_mode = #tpu.pipeline_mode<synchronous>, transform_indices = @transform_4, window_bounds = array<i64: 64, 64>}, {pipeline_mode = #tpu.pipeline_mode<synchronous>, transform_indices = @transform_5, window_bounds = array<i64: 1, 64>}, {pipeline_mode = #tpu.pipeline_mode<synchronous>, transform_indices = @transform_6, window_bounds = array<i64: 64, 128>}, {pipeline_mode = #tpu.pipeline_mode<synchronous>, transform_indices = @transform_7, window_bounds = array<i64: 1, 128>}, {transform_indices = @transform_8, window_bounds = array<i64: 1, 2, 1, 4096, 128>}, {pipeline_mode = #tpu.pipeline_mode<synchronous>, transform_indices = @transform_9, window_bounds = array<i64: 4096, 64>}]} {
    %eq3A = arith.constant 0 : i32
    %eq3A_0 = arith.cmpi eq, %arg0, %eq3A : i32
    %convert_element_type3A = arith.extui %eq3A_0 : i1 to i32
    %cond3A = arith.constant 0 : i32
    %cond3A_1 = arith.cmpi ne, %convert_element_type3A, %cond3A : i32
    scf.if %cond3A_1 {
      %get3A_66 = arith.constant 0 : index
      %get3A_67 = arith.constant 0 : index
      %get3A_68 = vector.load %arg2[%get3A_66, %get3A_67] : memref<4096x64xf32, #tpu.memory_space<vmem>>, vector<4096x64xf32>
      %swap3A_69 = arith.constant 0 : index
      %swap3A_70 = arith.constant 0 : index
      %swap3A_71 = vector.load %arg10[%swap3A_69, %swap3A_70] : memref<4096x64xf32, #tpu.memory_space<vmem>>, vector<4096x64xf32>
      tpu.vector_store %arg10[%swap3A_69, %swap3A_70], %get3A_68 {strides = array<i32>} : memref<4096x64xf32, #tpu.memory_space<vmem>>, vector<4096x64xf32>,
    } else {
    }
    %get3A = arith.constant 0 : index
    %get3A_2 = arith.constant 0 : index
    %get3A_3 = arith.constant 0 : index
    %get3A_4 = vector.load %arg1[%get3A, %get3A_2, %get3A_3] : memref<1x4096x128xf32, #tpu.memory_space<vmem>>, vector<1x4096x128xf32>
    %get3A_5 = vector.shape_cast %get3A_4 : vector<1x4096x128xf32> to vector<4096x128xf32>
    %get3A_6 = arith.constant 0 : index
    %get3A_7 = arith.constant 0 : index
    %get3A_8 = vector.load %arg10[%get3A_6, %get3A_7] : memref<4096x64xf32, #tpu.memory_space<vmem>>, vector<4096x64xf32>
    %get3A_9 = arith.constant 0 : index
    %get3A_10 = arith.constant 0 : index
    %get3A_11 = vector.load %arg6[%get3A_9, %get3A_10] : memref<1x64xf32, #tpu.memory_space<vmem>>, vector<1x64xf32>
    %get3A_12 = arith.constant 0 : index
    %get3A_13 = arith.constant 0 : index
    %get3A_14 = vector.load %arg8[%get3A_12, %get3A_13] : memref<1x128xf32, #tpu.memory_space<vmem>>, vector<1x128xf32>
    %get3A_15 = arith.constant 0 : index
    %get3A_16 = arith.constant 0 : index
    %get3A_17 = vector.load %arg5[%get3A_15, %get3A_16] : memref<64x64xf32, #tpu.memory_space<vmem>>, vector<64x64xf32>
    %get3A_18 = arith.constant 0 : index
    %get3A_19 = arith.constant 0 : index
    %get3A_20 = vector.load %arg7[%get3A_18, %get3A_19] : memref<64x128xf32, #tpu.memory_space<vmem>>, vector<64x128xf32>
    %get3A_21 = arith.constant 0 : index
    %get3A_22 = arith.constant 0 : index
    %get3A_23 = vector.load %arg3[%get3A_21, %get3A_22] : memref<128x64xf32, #tpu.memory_space<vmem>>, vector<128x64xf32>
    %dot_general3A = arith.constant dense<0.000000e+00> : vector<4096x64xf32>
    %dot_general3A_24 = tpu.matmul %get3A_5, %get3A_23, %dot_general3A {dimension_numbers = #tpu.dot_dimension_numbers<[1], [0], [0], [1], [0, 0, 1, 1], [], []>, transpose_lhs_hint = false} : vector<4096x128xf32>, vector<128x64xf32>, vector<4096x64xf32> -> vector<4096x64xf32>
    %dot_general3A_25 = arith.constant dense<0.000000e+00> : vector<4096x64xf32>
    %dot_general3A_26 = tpu.matmul %get3A_8, %get3A_17, %dot_general3A_25 {dimension_numbers = #tpu.dot_dimension_numbers<[1], [0], [0], [1], [0, 0, 1, 1], [], []>, transpose_lhs_hint = false} : vector<4096x64xf32>, vector<64x64xf32>, vector<4096x64xf32> -> vector<4096x64xf32>
    %add3A = arith.addf %dot_general3A_24, %dot_general3A_26 : vector<4096x64xf32>
    %add3A_27 = vector.broadcast %get3A_11 : vector<1x64xf32> to vector<4096x64xf32>
    %add3A_28 = arith.addf %add3A, %add3A_27 : vector<4096x64xf32>
    %tanh3A = math.tanh %add3A_28 : vector<4096x64xf32>
    %dot_general3A_29 = arith.constant dense<0.000000e+00> : vector<4096x128xf32>
    %dot_general3A_30 = tpu.matmul %tanh3A, %get3A_20, %dot_general3A_29 {dimension_numbers = #tpu.dot_dimension_numbers<[1], [0], [0], [1], [0, 0, 1, 1], [], []>, transpose_lhs_hint = false} : vector<4096x64xf32>, vector<64x128xf32>, vector<4096x128xf32> -> vector<4096x128xf32>
    %add3A_31 = vector.broadcast %get3A_14 : vector<1x128xf32> to vector<4096x128xf32>
    %add3A_32 = arith.addf %dot_general3A_30, %add3A_31 : vector<4096x128xf32>
    %swap3A = arith.constant 0 : index
    %swap3A_33 = arith.constant 0 : index
    %swap3A_34 = arith.constant 0 : index
    %swap3A_35 = arith.constant 0 : index
    %swap3A_36 = arith.constant 0 : index
    %swap3A_37 = vector.load %arg9[%swap3A, %swap3A_33, %swap3A_34, %swap3A_35, %swap3A_36] : memref<1x2x1x4096x128xf32, #tpu.memory_space<vmem>>, vector<1x1x1x4096x128xf32>
    %swap3A_38 = vector.shape_cast %swap3A_37 : vector<1x1x1x4096x128xf32> to vector<4096x128xf32>
    %swap3A_39 = vector.shape_cast %add3A_32 : vector<4096x128xf32> to vector<1x1x1x4096x128xf32>
    tpu.vector_store %arg9[%swap3A, %swap3A_33, %swap3A_34, %swap3A_35, %swap3A_36], %swap3A_39 {strides = array<i32>} : memref<1x2x1x4096x128xf32, #tpu.memory_space<vmem>>, vector<1x1x1x4096x128xf32>,
    %get3A_40 = arith.constant 0 : index
    %get3A_41 = arith.constant 0 : index
    %get3A_42 = vector.load %arg4[%get3A_40, %get3A_41] : memref<128x64xf32, #tpu.memory_space<vmem>>, vector<128x64xf32>
    %dot_general3A_43 = arith.constant dense<0.000000e+00> : vector<4096x64xf32>
    %dot_general3A_44 = tpu.matmul %get3A_5, %get3A_42, %dot_general3A_43 {dimension_numbers = #tpu.dot_dimension_numbers<[1], [0], [0], [1], [0, 0, 1, 1], [], []>, transpose_lhs_hint = false} : vector<4096x128xf32>, vector<128x64xf32>, vector<4096x64xf32> -> vector<4096x64xf32>
    %dot_general3A_45 = arith.constant dense<0.000000e+00> : vector<4096x64xf32>
    %dot_general3A_46 = tpu.matmul %tanh3A, %get3A_17, %dot_general3A_45 {dimension_numbers = #tpu.dot_dimension_numbers<[1], [0], [0], [1], [0, 0, 1, 1], [], []>, transpose_lhs_hint = false} : vector<4096x64xf32>, vector<64x64xf32>, vector<4096x64xf32> -> vector<4096x64xf32>
    %add3A_47 = arith.addf %dot_general3A_44, %dot_general3A_46 : vector<4096x64xf32>
    %add3A_48 = vector.broadcast %get3A_11 : vector<1x64xf32> to vector<4096x64xf32>
    %add3A_49 = arith.addf %add3A_47, %add3A_48 : vector<4096x64xf32>
    %tanh3A_50 = math.tanh %add3A_49 : vector<4096x64xf32>
    %swap3A_51 = arith.constant 0 : index
    %swap3A_52 = arith.constant 0 : index
    %swap3A_53 = vector.load %arg10[%swap3A_51, %swap3A_52] : memref<4096x64xf32, #tpu.memory_space<vmem>>, vector<4096x64xf32>
    tpu.vector_store %arg10[%swap3A_51, %swap3A_52], %tanh3A_50 {strides = array<i32>} : memref<4096x64xf32, #tpu.memory_space<vmem>>, vector<4096x64xf32>,
    %dot_general3A_54 = arith.constant dense<0.000000e+00> : vector<4096x128xf32>
    %dot_general3A_55 = tpu.matmul %tanh3A_50, %get3A_20, %dot_general3A_54 {dimension_numbers = #tpu.dot_dimension_numbers<[1], [0], [0], [1], [0, 0, 1, 1], [], []>, transpose_lhs_hint = false} : vector<4096x64xf32>, vector<64x128xf32>, vector<4096x128xf32> -> vector<4096x128xf32>
    %add3A_56 = vector.broadcast %get3A_14 : vector<1x128xf32> to vector<4096x128xf32>
    %add3A_57 = arith.addf %dot_general3A_55, %add3A_56 : vector<4096x128xf32>
    %swap3A_58 = arith.constant 0 : index
    %swap3A_59 = arith.constant 1 : index
    %swap3A_60 = arith.constant 0 : index
    %swap3A_61 = arith.constant 0 : index
    %swap3A_62 = arith.constant 0 : index
    %swap3A_63 = vector.load %arg9[%swap3A_58, %swap3A_59, %swap3A_60, %swap3A_61, %swap3A_62] : memref<1x2x1x4096x128xf32, #tpu.memory_space<vmem>>, vector<1x1x1x4096x128xf32>
    %swap3A_64 = vector.shape_cast %swap3A_63 : vector<1x1x1x4096x128xf32> to vector<4096x128xf32>
    %swap3A_65 = vector.shape_cast %add3A_57 : vector<4096x128xf32> to vector<1x1x1x4096x128xf32>
    tpu.vector_store %arg9[%swap3A_58, %swap3A_59, %swap3A_60, %swap3A_61, %swap3A_62], %swap3A_65 {strides = array<i32>} : memref<1x2x1x4096x128xf32, #tpu.memory_space<vmem>>, vector<1x1x1x4096x128xf32>,
    return
  }
  func.func @transform_0(%arg0: i32) -> (i32, i32, i32) {
    %c0_i32 = arith.constant 0 : i32
    %c0_i32_0 = arith.constant 0 : i32
    %c0_i32_1 = arith.constant 0 : i32
    return %arg0, %c0_i32, %c0_i32_0 : i32, i32, i32
  }
  func.func @transform_1(%arg0: i32) -> (i32, i32) {
    %c0_i32 = arith.constant 0 : i32
    %c0_i32_0 = arith.constant 0 : i32
    %c0_i32_1 = arith.constant 0 : i32
    return %c0_i32, %c0_i32_0 : i32, i32
  }
  func.func @transform_2(%arg0: i32) -> (i32, i32) {
    %c0_i32 = arith.constant 0 : i32
    %c0_i32_0 = arith.constant 0 : i32
    %c0_i32_1 = arith.constant 0 : i32
    return %c0_i32, %c0_i32_0 : i32, i32
  }
  func.func @transform_3(%arg0: i32) -> (i32, i32) {
    %c0_i32 = arith.constant 0 : i32
    %c0_i32_0 = arith.constant 0 : i32
    %c0_i32_1 = arith.constant 0 : i32
    return %c0_i32, %c0_i32_0 : i32, i32
  }
  func.func @transform_4(%arg0: i32) -> (i32, i32) {
    %c0_i32 = arith.constant 0 : i32
    %c0_i32_0 = arith.constant 0 : i32
    %c0_i32_1 = arith.constant 0 : i32
    return %c0_i32, %c0_i32_0 : i32, i32
  }
  func.func @transform_5(%arg0: i32) -> (i32, i32) {
    %c0_i32 = arith.constant 0 : i32
    %c0_i32_0 = arith.constant 0 : i32
    %c0_i32_1 = arith.constant 0 : i32
    return %c0_i32, %c0_i32_0 : i32, i32
  }
  func.func @transform_6(%arg0: i32) -> (i32, i32) {
    %c0_i32 = arith.constant 0 : i32
    %c0_i32_0 = arith.constant 0 : i32
    %c0_i32_1 = arith.constant 0 : i32
    return %c0_i32, %c0_i32_0 : i32, i32
  }
  func.func @transform_7(%arg0: i32) -> (i32, i32) {
    %c0_i32 = arith.constant 0 : i32
    %c0_i32_0 = arith.constant 0 : i32
    %c0_i32_1 = arith.constant 0 : i32
    return %c0_i32, %c0_i32_0 : i32, i32
  }
  func.func @transform_8(%arg0: i32) -> (i32, i32, i32, i32, i32) {
    %c0_i32 = arith.constant 0 : i32
    %c0_i32_0 = arith.constant 0 : i32
    %c0_i32_1 = arith.constant 0 : i32
    %c0_i32_2 = arith.constant 0 : i32
    %c0_i32_3 = arith.constant 0 : i32
    return %arg0, %c0_i32, %c0_i32_0, %c0_i32_1, %c0_i32_2 : i32, i32, i32, i32, i32
  }
  func.func @transform_9(%arg0: i32) -> (i32, i32) {
    %c0_i32 = arith.constant 0 : i32
    %c0_i32_0 = arith.constant 0 : i32
    %c0_i32_1 = arith.constant 0 : i32
    return %c0_i32, %c0_i32_0 : i32, i32
  }
}

module attributes {stable_mosaic.version = 14 : i64} {
  func.func @_rnn_step(%arg0: i32, %arg1: memref<1x4096x128xf32, #tpu.memory_space<vmem>>, %arg2: memref<4096x64xf32, #tpu.memory_space<vmem>>, %arg3: memref<128x64xf32, #tpu.memory_space<vmem>>, %arg4: memref<128x64xf32, #tpu.memory_space<vmem>>, %arg5: memref<64x64xf32, #tpu.memory_space<vmem>>, %arg6: memref<1x64xf32, #tpu.memory_space<vmem>>, %arg7: memref<64x128xf32, #tpu.memory_space<vmem>>, %arg8: memref<1x128xf32, #tpu.memory_space<vmem>>, %arg9: memref<1x2x1x4096x128xf32, #tpu.memory_space<vmem>>, %arg10: memref<4096x64xf32, #tpu.memory_space<vmem>>) attributes {dimension_semantics = [#tpu.dimension_semantics<arbitrary>], iteration_bounds = array<i64: 12>, scalar_prefetch = 0 : i64, scratch_operands = 0 : i64, tpu.core_type = #tpu.core_type<tc>, window_params = [{transform_indices = @transform_0, window_bounds = array<i64: 1, 4096, 128>}, {pipeline_mode = #tpu.pipeline_mode<synchronous>, transform_indices = @transform_1, window_bounds = array<i64: 4096, 64>}, {pipeline_mode = #tpu.pipeline_mode<synchronous>, transform_indices = @transform_2, window_bounds = array<i64: 128, 64>}, {pipeline_mode = #tpu.pipeline_mode<synchronous>, transform_indices = @transform_3, window_bounds = array<i64: 128, 64>}, {pipeline_mode = #tpu.pipeline_mode<synchronous>, transform_indices = @transform_4, window_bounds = array<i64: 64, 64>}, {pipeline_mode = #tpu.pipeline_mode<synchronous>, transform_indices = @transform_5, window_bounds = array<i64: 1, 64>}, {pipeline_mode = #tpu.pipeline_mode<synchronous>, transform_indices = @transform_6, window_bounds = array<i64: 64, 128>}, {pipeline_mode = #tpu.pipeline_mode<synchronous>, transform_indices = @transform_7, window_bounds = array<i64: 1, 128>}, {transform_indices = @transform_8, window_bounds = array<i64: 1, 2, 1, 4096, 128>}, {pipeline_mode = #tpu.pipeline_mode<synchronous>, transform_indices = @transform_9, window_bounds = array<i64: 4096, 64>}]} {
    %eq3A = arith.constant 0 : i32
    %eq3A_0 = arith.cmpi eq, %arg0, %eq3A : i32
    %convert_element_type3A = arith.extui %eq3A_0 : i1 to i32
    %cond3A = arith.constant 0 : i32
    %cond3A_1 = arith.cmpi ne, %convert_element_type3A, %cond3A : i32
    scf.if %cond3A_1 {
      %get3A_66 = arith.constant 0 : index
      %get3A_67 = arith.constant 0 : index
      %get3A_68 = vector.load %arg2[%get3A_66, %get3A_67] : memref<4096x64xf32, #tpu.memory_space<vmem>>, vector<4096x64xf32>
      %swap3A_69 = arith.constant 0 : index
      %swap3A_70 = arith.constant 0 : index
      %swap3A_71 = vector.load %arg10[%swap3A_69, %swap3A_70] : memref<4096x64xf32, #tpu.memory_space<vmem>>, vector<4096x64xf32>
      tpu.vector_store %arg10[%swap3A_69, %swap3A_70], %get3A_68 {strides = array<i32>} : memref<4096x64xf32, #tpu.memory_space<vmem>>, vector<4096x64xf32>,
    } else {
    }
    %get3A = arith.constant 0 : index
    %get3A_2 = arith.constant 0 : index
    %get3A_3 = arith.constant 0 : index
    %get3A_4 = vector.load %arg1[%get3A, %get3A_2, %get3A_3] : memref<1x4096x128xf32, #tpu.memory_space<vmem>>, vector<1x4096x128xf32>
    %get3A_5 = vector.shape_cast %get3A_4 : vector<1x4096x128xf32> to vector<4096x128xf32>
    %get3A_6 = arith.constant 0 : index
    %get3A_7 = arith.constant 0 : index
    %get3A_8 = vector.load %arg10[%get3A_6, %get3A_7] : memref<4096x64xf32, #tpu.memory_space<vmem>>, vector<4096x64xf32>
    %get3A_9 = arith.constant 0 : index
    %get3A_10 = arith.constant 0 : index
    %get3A_11 = vector.load %arg6[%get3A_9, %get3A_10] : memref<1x64xf32, #tpu.memory_space<vmem>>, vector<1x64xf32>
    %get3A_12 = arith.constant 0 : index
    %get3A_13 = arith.constant 0 : index
    %get3A_14 = vector.load %arg8[%get3A_12, %get3A_13] : memref<1x128xf32, #tpu.memory_space<vmem>>, vector<1x128xf32>
    %get3A_15 = arith.constant 0 : index
    %get3A_16 = arith.constant 0 : index
    %get3A_17 = vector.load %arg5[%get3A_15, %get3A_16] : memref<64x64xf32, #tpu.memory_space<vmem>>, vector<64x64xf32>
    %get3A_18 = arith.constant 0 : index
    %get3A_19 = arith.constant 0 : index
    %get3A_20 = vector.load %arg7[%get3A_18, %get3A_19] : memref<64x128xf32, #tpu.memory_space<vmem>>, vector<64x128xf32>
    %get3A_21 = arith.constant 0 : index
    %get3A_22 = arith.constant 0 : index
    %get3A_23 = vector.load %arg3[%get3A_21, %get3A_22] : memref<128x64xf32, #tpu.memory_space<vmem>>, vector<128x64xf32>
    %dot_general3A = arith.constant dense<0.000000e+00> : vector<4096x64xf32>
    %dot_general3A_24 = tpu.matmul %get3A_5, %get3A_23, %dot_general3A {dimension_numbers = #tpu.dot_dimension_numbers<[1], [0], [0], [1], [0, 0, 1, 1], [], []>, transpose_lhs_hint = false} : vector<4096x128xf32>, vector<128x64xf32>, vector<4096x64xf32> -> vector<4096x64xf32>
    %dot_general3A_25 = arith.constant dense<0.000000e+00> : vector<4096x64xf32>
    %dot_general3A_26 = tpu.matmul %get3A_8, %get3A_17, %dot_general3A_25 {dimension_numbers = #tpu.dot_dimension_numbers<[1], [0], [0], [1], [0, 0, 1, 1], [], []>, transpose_lhs_hint = false} : vector<4096x64xf32>, vector<64x64xf32>, vector<4096x64xf32> -> vector<4096x64xf32>
    %add3A = arith.addf %dot_general3A_24, %dot_general3A_26 : vector<4096x64xf32>
    %add3A_27 = vector.broadcast %get3A_11 : vector<1x64xf32> to vector<4096x64xf32>
    %add3A_28 = arith.addf %add3A, %add3A_27 : vector<4096x64xf32>
    %tanh3A = math.tanh %add3A_28 : vector<4096x64xf32>
    %dot_general3A_29 = arith.constant dense<0.000000e+00> : vector<4096x128xf32>
    %dot_general3A_30 = tpu.matmul %tanh3A, %get3A_20, %dot_general3A_29 {dimension_numbers = #tpu.dot_dimension_numbers<[1], [0], [0], [1], [0, 0, 1, 1], [], []>, transpose_lhs_hint = false} : vector<4096x64xf32>, vector<64x128xf32>, vector<4096x128xf32> -> vector<4096x128xf32>
    %add3A_31 = vector.broadcast %get3A_14 : vector<1x128xf32> to vector<4096x128xf32>
    %add3A_32 = arith.addf %dot_general3A_30, %add3A_31 : vector<4096x128xf32>
    %swap3A = arith.constant 0 : index
    %swap3A_33 = arith.constant 0 : index
    %swap3A_34 = arith.constant 0 : index
    %swap3A_35 = arith.constant 0 : index
    %swap3A_36 = arith.constant 0 : index
    %swap3A_37 = vector.load %arg9[%swap3A, %swap3A_33, %swap3A_34, %swap3A_35, %swap3A_36] : memref<1x2x1x4096x128xf32, #tpu.memory_space<vmem>>, vector<1x1x1x4096x128xf32>
    %swap3A_38 = vector.shape_cast %swap3A_37 : vector<1x1x1x4096x128xf32> to vector<4096x128xf32>
    %swap3A_39 = vector.shape_cast %add3A_32 : vector<4096x128xf32> to vector<1x1x1x4096x128xf32>
    tpu.vector_store %arg9[%swap3A, %swap3A_33, %swap3A_34, %swap3A_35, %swap3A_36], %swap3A_39 {strides = array<i32>} : memref<1x2x1x4096x128xf32, #tpu.memory_space<vmem>>, vector<1x1x1x4096x128xf32>,
    %get3A_40 = arith.constant 0 : index
    %get3A_41 = arith.constant 0 : index
    %get3A_42 = vector.load %arg4[%get3A_40, %get3A_41] : memref<128x64xf32, #tpu.memory_space<vmem>>, vector<128x64xf32>
    %dot_general3A_43 = arith.constant dense<0.000000e+00> : vector<4096x64xf32>
    %dot_general3A_44 = tpu.matmul %get3A_5, %get3A_42, %dot_general3A_43 {dimension_numbers = #tpu.dot_dimension_numbers<[1], [0], [0], [1], [0, 0, 1, 1], [], []>, transpose_lhs_hint = false} : vector<4096x128xf32>, vector<128x64xf32>, vector<4096x64xf32> -> vector<4096x64xf32>
    %dot_general3A_45 = arith.constant dense<0.000000e+00> : vector<4096x64xf32>
    %dot_general3A_46 = tpu.matmul %tanh3A, %get3A_17, %dot_general3A_45 {dimension_numbers = #tpu.dot_dimension_numbers<[1], [0], [0], [1], [0, 0, 1, 1], [], []>, transpose_lhs_hint = false} : vector<4096x64xf32>, vector<64x64xf32>, vector<4096x64xf32> -> vector<4096x64xf32>
    %add3A_47 = arith.addf %dot_general3A_44, %dot_general3A_46 : vector<4096x64xf32>
    %add3A_48 = vector.broadcast %get3A_11 : vector<1x64xf32> to vector<4096x64xf32>
    %add3A_49 = arith.addf %add3A_47, %add3A_48 : vector<4096x64xf32>
    %tanh3A_50 = math.tanh %add3A_49 : vector<4096x64xf32>
    %swap3A_51 = arith.constant 0 : index
    %swap3A_52 = arith.constant 0 : index
    %swap3A_53 = vector.load %arg10[%swap3A_51, %swap3A_52] : memref<4096x64xf32, #tpu.memory_space<vmem>>, vector<4096x64xf32>
    tpu.vector_store %arg10[%swap3A_51, %swap3A_52], %tanh3A_50 {strides = array<i32>} : memref<4096x64xf32, #tpu.memory_space<vmem>>, vector<4096x64xf32>,
    %dot_general3A_54 = arith.constant dense<0.000000e+00> : vector<4096x128xf32>
    %dot_general3A_55 = tpu.matmul %tanh3A_50, %get3A_20, %dot_general3A_54 {dimension_numbers = #tpu.dot_dimension_numbers<[1], [0], [0], [1], [0, 0, 1, 1], [], []>, transpose_lhs_hint = false} : vector<4096x64xf32>, vector<64x128xf32>, vector<4096x128xf32> -> vector<4096x128xf32>
    %add3A_56 = vector.broadcast %get3A_14 : vector<1x128xf32> to vector<4096x128xf32>
    %add3A_57 = arith.addf %dot_general3A_55, %add3A_56 : vector<4096x128xf32>
    %swap3A_58 = arith.constant 0 : index
    %swap3A_59 = arith.constant 1 : index
    %swap3A_60 = arith.constant 0 : index
    %swap3A_61 = arith.constant 0 : index
    %swap3A_62 = arith.constant 0 : index
    %swap3A_63 = vector.load %arg9[%swap3A_58, %swap3A_59, %swap3A_60, %swap3A_61, %swap3A_62] : memref<1x2x1x4096x128xf32, #tpu.memory_space<vmem>>, vector<1x1x1x4096x128xf32>
    %swap3A_64 = vector.shape_cast %swap3A_63 : vector<1x1x1x4096x128xf32> to vector<4096x128xf32>
    %swap3A_65 = vector.shape_cast %add3A_57 : vector<4096x128xf32> to vector<1x1x1x4096x128xf32>
    tpu.vector_store %arg9[%swap3A_58, %swap3A_59, %swap3A_60, %swap3A_61, %swap3A_62], %swap3A_65 {strides = array<i32>} : memref<1x2x1x4096x128xf32, #tpu.memory_space<vmem>>, vector<1x1x1x4096x128xf32>,
    return
  }
  func.func @transform_0(%arg0: i32) -> (i32, i32, i32) {
    %c0_i32 = arith.constant 0 : i32
    %c0_i32_0 = arith.constant 0 : i32
    %c0_i32_1 = arith.constant 0 : i32
    return %arg0, %c0_i32, %c0_i32_0 : i32, i32, i32
  }
  func.func @transform_1(%arg0: i32) -> (i32, i32) {
    %c0_i32 = arith.constant 0 : i32
    %c0_i32_0 = arith.constant 0 : i32
    %c0_i32_1 = arith.constant 0 : i32
    return %c0_i32, %c0_i32_0 : i32, i32
  }
  func.func @transform_2(%arg0: i32) -> (i32, i32) {
    %c0_i32 = arith.constant 0 : i32
    %c0_i32_0 = arith.constant 0 : i32
    %c0_i32_1 = arith.constant 0 : i32
    return %c0_i32, %c0_i32_0 : i32, i32
  }
  func.func @transform_3(%arg0: i32) -> (i32, i32) {
    %c0_i32 = arith.constant 0 : i32
    %c0_i32_0 = arith.constant 0 : i32
    %c0_i32_1 = arith.constant 0 : i32
    return %c0_i32, %c0_i32_0 : i32, i32
  }
  func.func @transform_4(%arg0: i32) -> (i32, i32) {
    %c0_i32 = arith.constant 0 : i32
    %c0_i32_0 = arith.constant 0 : i32
    %c0_i32_1 = arith.constant 0 : i32
    return %c0_i32, %c0_i32_0 : i32, i32
  }
  func.func @transform_5(%arg0: i32) -> (i32, i32) {
    %c0_i32 = arith.constant 0 : i32
    %c0_i32_0 = arith.constant 0 : i32
    %c0_i32_1 = arith.constant 0 : i32
    return %c0_i32, %c0_i32_0 : i32, i32
  }
  func.func @transform_6(%arg0: i32) -> (i32, i32) {
    %c0_i32 = arith.constant 0 : i32
    %c0_i32_0 = arith.constant 0 : i32
    %c0_i32_1 = arith.constant 0 : i32
    return %c0_i32, %c0_i32_0 : i32, i32
  }
  func.func @transform_7(%arg0: i32) -> (i32, i32) {
    %c0_i32 = arith.constant 0 : i32
    %c0_i32_0 = arith.constant 0 : i32
    %c0_i32_1 = arith.constant 0 : i32
    return %c0_i32, %c0_i32_0 : i32, i32
  }
  func.func @transform_8(%arg0: i32) -> (i32, i32, i32, i32, i32) {
    %c0_i32 = arith.constant 0 : i32
    %c0_i32_0 = arith.constant 0 : i32
    %c0_i32_1 = arith.constant 0 : i32
    %c0_i32_2 = arith.constant 0 : i32
    %c0_i32_3 = arith.constant 0 : i32
    return %arg0, %c0_i32, %c0_i32_0, %c0_i32_1, %c0_i32_2 : i32, i32, i32, i32, i32
  }
  func.func @transform_9(%arg0: i32) -> (i32, i32) {
    %c0_i32 = arith.constant 0 : i32
    %c0_i32_0 = arith.constant 0 : i32
    %c0_i32_1 = arith.constant 0 : i32
    return %c0_i32, %c0_i32_0 : i32, i32
  }
}

</mosaic_0001>

<sc_bundles>
// kernel: kernel.10.cloned.1.call-start
scs
__scs_entry_jumppad:
0x0: {  	(pc) =	sbr.rel $0x88, $3  }
0x1: {  	(tag) =	ssettag $0x0;
	lr =	simm.s32 $0x1  }
0x2: {  	[smem:$0x3F9A] =	sst lr;
	_ =	strace $0xD0000000  }
0x3: {  	_ = 	snop  }
0x4: {  	_ = 	snop  }
0x5: {  	_ = 	snop  }
0x6: {  	_ = 	snop  }
0x7: {  	_ = 	snop  }
__scs_overlays_trampoline_lowered:
0x8: {  	[smem:$0x3FA9] =	sst s0  }
0x9: {  	[smem:$0x3FAA] =	sst s1  }
0xa: {  	[smem:$0x3FAB] =	sst s2  }
0xb: {  	[smem:$0x3FAC] =	sst s3  }
0xc: {  	[smem:$0x3FAD] =	sst s4  }
0xd: {  	[smem:$0x3FAE] =	sst s5  }
0xe: {  	[smem:$0x3FAF] =	sst s6  }
0xf: {  	[smem:$0x3FB0] =	sst s7  }
0x10: {  	[smem:$0x3FB1] =	sst s8  }
0x11: {  	[smem:$0x3FB2] =	sst s9;
	s0 =	simm.s32 @!p0 $0x0  }
0x12: {  	s1 =	sld [smem:$0x3F98];
	s0 =	simm.s32 @p0 $0x1  }
0x13: {  	[smem:$0x3FB3] =	sst s0;
	s0 =	simm.s32 @!p1 $0x0  }
0x14: {  	s2 =	sld [smem:$0x3F97];
	s0 =	simm.s32 @p1 $0x1  }
0x15: {  	[smem:$0x3FB4] =	sst s0;
	s0 =	simm.s32 @!p2 $0x0  }
0x16: {  	s3 =	sld [smem:$0x3FDB];
	s0 =	simm.s32 @p2 $0x1  }
0x17: {  	s4 =	simm.s32 $0x1BF5;
	[smem:$0x3FB6] =	sst s0  }
0x18: {  	s0 =	sld [smem:$0x3F99];
	_ =	swait.ge [sflag:s4], $0x0  }
0x19: {  	s7 =	sld [smem:$0x3F9A]  }
0x1a: {  	s8 =	sadd.s32 $0xFFFFE003, lr  }
0x1b: {  	s9 =	sadd.s32 $0xFFFFFEF7, lr;
	s5 =	simm.s32 $0xFFFFFFFF;
	p2 =	slt.u32 s8, $0xFFFFF086  }
0x1c: {  	p1 =	slt.u32 s9, $0xF7A;
	s5 =	simm.s32 @!p2 $0x0  }
0x1d: {  	s5 =	simm.s32 @p1 $0x1;
	p0 =	seq.s32 s7, s2  }
0x1e: {  	s7 =	smul.u32 @!p0 $0xF7A, s2;
	p2 =	seq.s32 @!p0 s5, $0x0  }
0x1f: {  	s9 =	smul.u32 $0xF7A, s1;
	s8 =	simm.s32 @!p0 $0x1BF5;
	p2 =	por !p2, p0  }
0x20: {  	[sflag:s8] =	ssyncset.s32 @!p0 $0xFFFFF086;
	s6 =	sadd.s32 @!p0 s3, s7;
	s7 =	simm.s32 @!p0 $0x108  }
0x21: {  	s3 =	sadd.s32 s3, s9;
	s6 =	sadd.s32 @!p0 $0x88, s6;
	s7 =	simm.s32 @p2 $0x1082  }
0x22: {  	[simem:s7], [sflag:s8] =	dma.local @!p0 [hbm:s6], $0xF7A  }
0x23: {  	s9 =	sor.u32 $0xD0000000, s2;
	s6 =	simm.s32 $0x108;
	_ =	swait.ge @!p0 [sflag:s8], $0x0  }
0x24: {  	s3 =	sadd.s32 $0x88, s3;
	s6 =	simm.s32 @!p1 $0x1082;
	[sflag:s4] =	ssyncset.s32 $0xFFFFF086  }
0x25: {  	[simem:s6], [sflag:s4] =	dma.local [hbm:s3], $0xF7A  }
0x26: {  	[smem:$0x3F9A] =	sst s1;
	(tag) =	ssettag s2;
	_ =	strace s9  }
0x27: {  	s1 =	sld [smem:$0x3FAA]  }
0x28: {  	s2 =	sld [smem:$0x3FAB]  }
0x29: {  	s4 =	sld [smem:$0x3FAD]  }
0x2a: {  	p0 =	seq.s32 s5, $0x0;
	s5 =	sld [smem:$0x3FAE]  }
0x2b: {  	s6 =	sld [smem:$0x3FAF]  }
0x2c: {  	s7 =	sld [smem:$0x3FB0]  }
0x2d: {  	s3 =	simm.s32 $0x108;
	s8 =	sld [smem:$0x3FB1]  }
0x2e: {  	s3 =	simm.s32 @!p0 $0x1082;
	s9 =	sld [smem:$0x3FB2]  }
0x2f: {  	lr =	sadd.s32 s0, s3;
	s0 =	sld [smem:$0x3FA9]  }
0x30: {  	s3 =	sld [smem:$0x3FAC]  }
0x31: {  	[smem:$0x3FB5] =	sst s10  }
0x32: {  	s10 =	sld [smem:$0x3FB3];
	_ =	sdelay $0x3  }
0x33: {  	p0 =	seq.s32 s10, $0x1;
	s10 =	sld [smem:$0x3FB5];
	_ =	sdelay $0x3  }
0x34: {  	[smem:$0x3FB5] =	sst s10  }
0x35: {  	s10 =	sld [smem:$0x3FB4];
	_ =	sdelay $0x3  }
0x36: {  	p1 =	seq.s32 s10, $0x1;
	s10 =	sld [smem:$0x3FB5];
	_ =	sdelay $0x3  }
0x37: {  	[smem:$0x3FB5] =	sst s10  }
0x38: {  	s10 =	sld [smem:$0x3FB6]  }
0x39: {  	_ = 	snop;
	(pc) =	sbr.ind lr, $3  }
0x3a: {  	_ = 	snop  }
0x3b: {  	_ = 	snop  }
0x3c: {  	p2 =	seq.s32 s10, $0x1;
	s10 =	sld [smem:$0x3FB5]  }
0x3d: {  	_ =	shalt  }
0x3e: {  	_ =	shalt  }
0x3f: {  	_ =	shalt  }
0x40: {  	_ =	shalt  }
0x41: {  	_ =	shalt  }
0x42: {  	_ =	shalt  }
0x43: {  	_ =	shalt  }
0x44: {  	_ =	shalt  }
0x45: {  	_ =	shalt  }
0x46: {  	_ =	shalt  }
0x47: {  	_ =	shalt  }
0x48: {  	_ =	shalt  }
0x49: {  	_ =	shalt  }
0x4a: {  	_ =	shalt  }
0x4b: {  	_ =	shalt  }
0x4c: {  	_ =	shalt  }
0x4d: {  	_ =	shalt  }
0x4e: {  	_ =	shalt  }
0x4f: {  	_ =	shalt  }
0x50: {  	_ =	shalt  }
0x51: {  	_ =	shalt  }
0x52: {  	_ =	shalt  }
0x53: {  	_ =	shalt  }
0x54: {  	_ =	shalt  }
0x55: {  	_ =	shalt  }
0x56: {  	_ =	shalt  }
0x57: {  	_ =	shalt  }
0x58: {  	_ =	shalt  }
0x59: {  	_ =	shalt  }
0x5a: {  	_ =	shalt  }
0x5b: {  	_ =	shalt  }
0x5c: {  	_ =	shalt  }
0x5d: {  	_ =	shalt  }
0x5e: {  	_ =	shalt  }
0x5f: {  	_ =	shalt  }
0x60: {  	_ =	shalt  }
0x61: {  	_ =	shalt  }
0x62: {  	_ =	shalt  }
0x63: {  	_ =	shalt  }
0x64: {  	_ =	shalt  }
0x65: {  	_ =	shalt  }
0x66: {  	_ =	shalt  }
0x67: {  	_ =	shalt  }
0x68: {  	_ =	shalt  }
0x69: {  	_ =	shalt  }
0x6a: {  	_ =	shalt  }
0x6b: {  	_ =	shalt  }
0x6c: {  	_ =	shalt  }
0x6d: {  	_ =	shalt  }
0x6e: {  	_ =	shalt  }
0x6f: {  	_ =	shalt  }
0x70: {  	_ =	shalt  }
0x71: {  	_ =	shalt  }
0x72: {  	_ =	shalt  }
0x73: {  	_ =	shalt  }
0x74: {  	_ =	shalt  }
0x75: {  	_ =	shalt  }
0x76: {  	_ =	shalt  }
0x77: {  	_ =	shalt  }
0x78: {  	_ =	shalt  }
0x79: {  	_ =	shalt  }
0x7a: {  	_ =	shalt  }
0x7b: {  	_ =	shalt  }
0x7c: {  	_ =	shalt  }
0x7d: {  	_ =	shalt  }
0x7e: {  	_ =	shalt  }
0x7f: {  	_ =	shalt  }
0x80: {  	_ =	shalt  }
0x81: {  	_ =	shalt  }
0x82: {  	_ =	shalt  }
0x83: {  	_ =	shalt  }
0x84: {  	_ =	shalt  }
0x85: {  	_ =	shalt  }
0x86: {  	_ =	shalt  }
0x87: {  	_ =	shalt  }
.Lfunc_end0:
.L_simem_size_0:
called_computation.1_lowered:
.L_overlay_start_0:
0x88: {  	s2 =	sld [smem:$0x3FD9]  }
0x89: {  	s3 =	sld [smem:$0x3FFE];
	_ =	sdelay $0x1  }
0x8a: {  	s1 =	srdreg.scid  }
0x8b: {  	s0 =	sand.u32 $0x1, s1  }
0x8c: {  	s17 =	sshll.u32 s0, $0xA;
	s2 =	sadd.s32 s3, s2  }
0x8d: {  	s2 =	sadd.s32 s2, s17  }
0x8e: {  	[smem:$0x3FC1] =	sst s2  }
0x8f: {  	_ = 	snop  }
0x90: {  	(tm) =	ssettm $0x1  }
0x91: {  	s18 =	sld [smem:$0x3FFB];
	_ =	sdelay $0x3  }
0x92: {  	_ =	strace s18  }
0x93: {  	s2 =	sld [smem:$0x3FFC];
	_ =	sdelay $0x3  }
0x94: {  	_ =	strace s2  }
0x95: {  	s2 =	sld [smem:$0x3FFD];
	_ =	sdelay $0x3  }
0x96: {  	_ =	strace s2  }
0x97: {  	_ =	strace $0x8FFFFFFF  }
0x98: {  	s19 =	sld [smem:$0x3FDB];
	_ =	sdelay $0x1  }
0x99: {  	s20 =	simm.s32 $_scs_section_size  }
0x9a: {  	s4 =	simm.s32 $_size__tile_overlayer_lowered;
	s5 =	simm.s32 $_tile_overlayer_lowered  }
0x9b: {  	s6 =	simm.s32 $0x1BFF;
	s21 =	sshll.u32 s5, $0x1;
	s3 =	sadd.s32 s20, s19  }
0x9c: {  	s22 =	simm.s32 $0x0;
	s4 =	sshll.u32 s4, $0x1;
	s5 =	sadd.s32 s21, s3  }
0x9d: {  	[timem:s22], [sflag:s6] =	dma.local [hbm:s5], s4  }
0x9e: {  	_ =	swait.ge [sflag:s6], s4  }
0x9f: {  	s4 =	ssub.s32 $0x0, s4;
	[sflag:s6] =	ssyncset.done $0x0  }
0xa0: {  	[sflag:s6] =	ssyncadd.s32 s4;
	_ =	sdelay $0x1  }
0xa1: {  	s23 =	simm.s32 $0x1B8B  }
0xa2: {  	_ =	swait.ge [sflag:s23], $0x1  }
0xa3: {  	[sflag:s23] =	ssyncset.done $0x0  }
0xa4: {  	[sflag:s23] =	ssyncadd.s32 $0xFFFFFFFF  }
0xa5: {  	s4 =	sld [smem:$0x0]  }
0xa6: {  	s5 =	sand.u32 $0xFFFFFFFE, s1  }
0xa7: {  	p0 =	sne.s32 s1, s5  }
0xa8: {  	s5 =	sshll.u32 @p0 s5, $0xE  }
0xa9: {  	s5 =	sadd.s32 @p0 $0x11B8D, s5;
	s6 =	sshll.u32 @p0 s4, $0x11  }
0xaa: {  	s5 =	sor.u32 @p0 s6, s5  }
0xab: {  	[sflag:s5] =	ssyncadd.remote.s32 @p0 $0x1;
	_ =	sdelay $0x1  }
0xac: {  	s5 =	simm.s32 @p0 $0x1B8D  }
0xad: {  	_ =	swait.eq @p0 [sflag:s5], $0x1  }
0xae: {  	[sflag:s5] =	ssyncadd.s32 @p0 $0xFFFFFFFF  }
0xaf: {  	s6 =	sshll.u32 @!p0 s1, $0xE  }
0xb0: {  	s6 =	sor.u32 @!p0 $0x4000, s6;
	s5 =	simm.s32 @!p0 $0x1B8D  }
0xb1: {  	s4 =	sshll.u32 @!p0 s4, $0x11;
	s6 =	sadd.s32 @!p0 $0x11B8D, s6;
	_ =	swait.eq @!p0 [sflag:s5], $0x1  }
0xb2: {  	s4 =	sor.u32 @!p0 s4, s6;
	[sflag:s5] =	ssyncadd.s32 @!p0 $0xFFFFFFFF  }
0xb3: {  	s25 =	simm.s32 $0x1B8E;
	s24 =	sld [smem:$0x3FFE];
	[sflag:s4] =	ssyncadd.remote.s32 @!p0 $0x1  }
0xb4: {  	s26 =	simm.s32 $execute0_lowered;
	[smem:$0x3FD2] =	sst s25  }
0xb5: {  	s5 =	sshll.u32 s26, $0x1;
	_ =	strace $0x80000049;
	[dreg:$0x1] =	wrdreg $0xFFFFFFFF  }
0xb6: {  	s28 =	simm.s32 $_size_execute0_lowered;
	s3 =	sadd.s32 s3, s5;
	[dreg:$0x0] =	wrdreg $0x0  }
0xb7: {  	s5 =	sshll.u32 s28, $0x1;
	[dreg:$0x2] =	wrdreg s3  }
0xb8: {  	[dreg:$0x3] =	wrdreg s5  }
0xb9: {  	[dreg:$0x4] =	wrdreg $0xC0  }
0xba: {  	_ =	task [dreg:s22], $0x5FFFF  }
0xbb: {  	[dreg:$0x1] =	wrdreg $0xFFFFFFFF  }
0xbc: {  	[dreg:$0x0] =	wrdreg $0x60  }
0xbd: {  	[dreg:$0x2] =	wrdreg s24  }
0xbe: {  	[dreg:$0x3] =	wrdreg $0xA  }
0xbf: {  	_ =	task.clear_ibuf [dreg:s22], $0x4FFFF;
	_ =	strace $0x90000049  }
0xc0: {  	s29 =	simm.s32 $0xA;
	_ =	strace $0x8000004B  }
0xc1: {  	_ =	swait.ge [sflag:s29], $0x1  }
0xc2: {  	[sflag:s29] =	ssyncadd.s32 $0xFFFFFFFF  }
0xc3: {  	_ =	strace $0x9000004B  }
0xc4: {  	_ =	sfence  }
0xc5: {  	s30 =	sld [smem:$0x0];
	_ =	sdelay $0x2  }
0xc6: {  	s31 =	sshll.u32 s1, $0xD;
	s1 =	sshrl.u32 s1, $0x2  }
0xc7: {  	s4 =	sand.u32 $0x4000, s31;
	s1 =	sadd.s32 s1, s30  }
0xc8: {  	s0 =	sor.u32 s4, s0;
	s1 =	sshll.u32 s1, $0x11  }
0xc9: {  	s0 =	sor.u32 s1, s0  }
0xca: {  	s0 =	sadd.s32 $0x8F2B, s0  }
0xcb: {  	[sflag:s0] =	ssyncadd.remote.s32 $0x1  }
0xcc: {  	_ =	sfence.sel $0xFFFF  }
0xcd: {  	[dreg:$0x0] =	wrdreg $0xFFFFFFFF;
	(pc) =	sbr.abs _section_cstart, $3  }
0xce: {  	[dreg:$0x1] =	wrdreg $0xFFFFFFFF  }
0xcf: {  	_ =	task.clear_ibuf [dreg:s22], $0x2FFFF;
	_ =	strace $0x9FFFFFFF  }
0xd0: {  	(tm) =	ssettm $0x7FFFFFFF  }
0xd1: {  	_ =	shalt  }
tec
execute0_lowered:
.L_overlay_start_1:
0x0: {  	(tag) =	ssettag $0x1  }
0x1: {  	s1 =	srdreg.scid  }
0x2: {  	s0 =	stileid.u32;
	s4 =	rddreg [dreg:$0x0]  }
0x3: {  	s2 =	simm.s32 $0x0;
	s9 =	simm.s32 $0xC00;
	s10 =	simm.s32 $0x80  }
0x4: {  	s11 =	simm.s32 $0x1800;
	s12 =	simm.s32 $0x3800;
	s13 =	simm.s32 $0x1  }
0x5: {  	s14 =	simm.s32 $0x2;
	s3 =	sand.u32 $0x1, s1;
	s5 =	sshll.u32 s0, $0x1  }
0x6: {  	s15 =	simm.s32 $0x1700;
	s16 =	simm.s32 $0x1780;
	s5 =	sor.u32 s3, s5  }
0x7: {  	s17 =	simm.s32 $0x0;
	[smem:$0x7FF] =	sst s2;
	s5 =	smul.u32 $0x180, s5  }
0x8: {  	s1 =	rddreg [dreg:$0x1];
	_ =	strace $0x8000004A;
	s6 =	ssub.s32 $0x2, s3  }
0x9: {  	s3 =	sadd.s32 $0x8A00, s4;
	s31 =	sshrl.u32 s6, $0x1;
	s7 =	sadd.s32 s5, s4  }
0xa: {  	s8 =	ssub.s32 s6, s31;
	s4 =	sadd.s32 $0xD2000, s4;
	s5 =	sadd.s32 $0xCC000, s7  }
0xb: {  	s6 =	sadd.s32 $0xCF000, s7;
	s7 =	smax.u32 s8, $0x1;
	s8 =	simm.s32 $0x3  }
.LBB2_1:
0xc: {  	[tilespmem:s2], [sflag:$0x3] =	stream.linear.gather [hbm4b:s5+s2], $0xC00, $0x38;
	[tilespmem:$0x5800] =	vst v63  }
0xd: {  	_ =	swait.ge [sflag:s8], $0xC00  }
0xe: {  	[sflag:s8] =	ssyncset.done $0x0  }
0xf: {  	[sflag:s8] =	ssyncadd.s32 $0xFFFFF400  }
0x10: {  	[tilespmem:s9], [sflag:$0x3] =	stream.linear.gather [hbm4b:s6+s2], $0xC00, $0x38;
	[tilespmem:$0x5800] =	vst v63  }
0x11: {  	_ =	swait.ge [sflag:s8], $0xC00  }
0x12: {  	[sflag:s8] =	ssyncset.done $0x0  }
0x13: {  	[sflag:s8] =	ssyncadd.s32 $0xFFFFF400  }
0x14: {  	[tilespmem:s11], [sflag:$0x1] =	stream.indirect.gather [hbm4b:s3+s10], $0x40, s2, s10, $0xb8;
	[tilespmem:$0x5800] =	vst v63  }
0x15: {  	_ = 	snop  }
0x16: {  	[tilespmem:s12], [sflag:$0x2] =	stream.indirect.gather [hbm4b:s3+s10], $0x40, s10, s10, $0xb8;
	[tilespmem:$0x5800] =	vst v63  }
0x17: {  	_ =	swait.ge [sflag:s13], $0x2000  }
0x18: {  	[sflag:s13] =	ssyncset.done $0x0  }
0x19: {  	s18 =	simm.s32 $0xC00;
	[sflag:s13] =	ssyncadd.s32 $0xFFFFE000  }
0x1a: {  	[hbm4b:s4+s10] =	stream.indirect.scatter [tilespmem:s11], [sflag:$0x3], $0x40, s18, s10, $0xb8;
	[tilespmem:$0x5800] =	vst v63  }
0x1b: {  	_ =	swait.ge [sflag:s8], $0x2000  }
0x1c: {  	[sflag:s8] =	ssyncset.done $0x0  }
0x1d: {  	s30 =	simm.s32 $0x100;
	[sflag:s8] =	ssyncadd.s32 $0xFFFFE000  }
0x1e: {  	[tilespmem:s11], [sflag:$0x1] =	stream.indirect.gather [hbm4b:s3+s10], $0x40, s30, s10, $0xb8;
	[tilespmem:$0x5800] =	vst v63  }
0x1f: {  	_ =	swait.ge [sflag:s14], $0x2000  }
0x20: {  	[sflag:s14] =	ssyncset.done $0x0  }
0x21: {  	s31 =	simm.s32 $0xC80;
	[sflag:s14] =	ssyncadd.s32 $0xFFFFE000  }
0x22: {  	[hbm4b:s4+s10] =	stream.indirect.scatter [tilespmem:s12], [sflag:$0x3], $0x40, s31, s10, $0xb8;
	[tilespmem:$0x5800] =	vst v63  }
0x23: {  	_ =	swait.ge [sflag:s8], $0x2000  }
0x24: {  	[sflag:s8] =	ssyncset.done $0x0  }
0x25: {  	s19 =	simm.s32 $0x180;
	s18 =	simm.s32 $0x400;
	[sflag:s8] =	ssyncadd.s32 $0xFFFFE000  }
.LBB2_2:
0x26: {  	[tilespmem:s12], [sflag:$0x2] =	stream.indirect.gather [hbm4b:s3+s10], $0x40, s19, s10, $0xb8;
	[tilespmem:$0x5800] =	vst v63  }
0x27: {  	s19 =	smov.u32 s18  }
0x28: {  	p0 =	sne.s32 s18, $0x2800;
	s18 =	sadd.s32 $0x400, s18;
	_ =	swait.ge [sflag:s13], $0x2000  }
0x29: {  	s19 =	sshra.s32 s19, $0x2;
	[sflag:s13] =	ssyncset.done $0x0  }
0x2a: {  	s20 =	sadd.s32 $0xC00, s19;
	[sflag:s13] =	ssyncadd.s32 $0xFFFFE000  }
0x2b: {  	[hbm4b:s4+s10] =	stream.indirect.scatter [tilespmem:s11], [sflag:$0x3], $0x40, s20, s10, $0xb8;
	[tilespmem:$0x5800] =	vst v63  }
0x2c: {  	_ =	swait.ge [sflag:s8], $0x2000  }
0x2d: {  	[sflag:s8] =	ssyncset.done $0x0  }
0x2e: {  	s20 =	sadd.s32 $0x100, s19;
	[sflag:s8] =	ssyncadd.s32 $0xFFFFE000  }
0x2f: {  	[tilespmem:s11], [sflag:$0x1] =	stream.indirect.gather [hbm4b:s3+s10], $0x40, s20, s10, $0xb8;
	[tilespmem:$0x5800] =	vst v63  }
0x30: {  	_ =	swait.ge [sflag:s14], $0x2000  }
0x31: {  	[sflag:s14] =	ssyncset.done $0x0  }
.Ltmp0:
0x32: {  	s20 =	sadd.s32 $0xC80, s19;
	[sflag:s14] =	ssyncadd.s32 $0xFFFFE000;
	(pc) =	sbr.rel @p0 .LBB2_2-.Ltmp0, $4  }
0x33: {  	[hbm4b:s4+s10] =	stream.indirect.scatter [tilespmem:s12], [sflag:$0x3], $0x40, s20, s10, $0xb8;
	[tilespmem:$0x5800] =	vst v63  }
0x34: {  	_ =	swait.ge [sflag:s8], $0x2000  }
0x35: {  	[sflag:s8] =	ssyncset.done $0x0  }
0x36: {  	s19 =	sadd.s32 $0x180, s19;
	[sflag:s8] =	ssyncadd.s32 $0xFFFFE000  }
0x37: {  	[tilespmem:s12], [sflag:$0x2] =	stream.indirect.gather [hbm4b:s3+s10], $0x40, s19, s10, $0xb8;
	[tilespmem:$0x5800] =	vst v63  }
0x38: {  	_ =	swait.ge [sflag:s13], $0x2000  }
0x39: {  	[sflag:s13] =	ssyncset.done $0x0  }
0x3a: {  	[sflag:s13] =	ssyncadd.s32 $0xFFFFE000  }
0x3b: {  	[hbm4b:s4+s10] =	stream.indirect.scatter [tilespmem:s11], [sflag:$0x3], $0x40, s15, s10, $0xb8;
	[tilespmem:$0x5800] =	vst v63  }
0x3c: {  	_ =	swait.ge [sflag:s8], $0x2000  }
0x3d: {  	[sflag:s8] =	ssyncset.done $0x0  }
0x3e: {  	[sflag:s8] =	ssyncadd.s32 $0xFFFFE000  }
0x3f: {  	s17 =	sadd.s32 $0x1, s17;
	_ =	swait.ge [sflag:s14], $0x2000  }
0x40: {  	p0 =	sne.s32 s17, s7;
	[sflag:s14] =	ssyncset.done $0x0  }
.Ltmp1:
0x41: {  	[sflag:s14] =	ssyncadd.s32 $0xFFFFE000;
	(pc) =	sbr.rel @p0 .LBB2_1-.Ltmp1, $4  }
0x42: {  	[hbm4b:s4+s10] =	stream.indirect.scatter [tilespmem:s12], [sflag:$0x3], $0x40, s16, s10, $0xb8;
	[tilespmem:$0x5800] =	vst v63  }
0x43: {  	_ =	swait.ge [sflag:s8], $0x2000  }
0x44: {  	[sflag:s8] =	ssyncset.done $0x0  }
0x45: {  	[sflag:s8] =	ssyncadd.s32 $0xFFFFE000  }
0x46: {  	_ =	sfence.sel $0x180000  }
0x47: {  	[bflag:$0x0] =	sbarrier.arrive $0xFFFF  }
0x48: {  	p0 =	sne.s32 s0, $0x0;
	_ =	strace $0x9000004A  }
0x49: {  	s0 =	sadd.s32 @!p0 $0x100000, s1;
	[bflag:$0x2] =	sbarrier.arrive $0xFFFF  }
0x4a: {  	[sflag:s0] =	ssyncadd.tile.s32 @!p0 $0x1;
	_ =	shalt  }
.Lfunc_end2:
_tile_overlayer_lowered:
.L_overlay_start_2:
0x4b: {  	(tag) =	ssettag $0x2  }
0x4c: {  	s0 =	rddreg [dreg:$0x0];
	s2 =	stileid.u32  }
0x4d: {  	s1 =	rddreg [dreg:$0x1];
	p0 =	sne.s32 s2, $0x0  }
0x4e: {  	s3 =	rddreg [dreg:$0x2];
	[bflag:$0x3] =	sbarrier.arrive $0xFFFF;
	s2 =	simm.s32 @!p0 $0x1C03  }
0x4f: {  	[timem:s3], [sflag:s2] =	dma.local @!p0 [hbm:s0], s1  }
0x50: {  	s0 =	simm.s32 @!p0 $0x3  }
0x51: {  	_ =	swait.ge @!p0 [sflag:s0], s1  }
0x52: {  	s1 =	ssub.s32 @!p0 $0x0, s1;
	[sflag:s0] =	ssyncset.done @!p0 $0x0  }
0x53: {  	[sflag:s0] =	ssyncadd.s32 @!p0 s1  }
0x54: {  	[bflag:$0x3] =	sbarrier.arrive $0xFFFF  }
0x55: {  	_ =	shalt  }

// kernel: kernel.13.cloned.1.call-start
scs
__scs_entry_jumppad:
0x0: {  	(pc) =	sbr.rel $0x88, $3  }
0x1: {  	(tag) =	ssettag $0x0;
	lr =	simm.s32 $0x1  }
0x2: {  	[smem:$0x3F9A] =	sst lr;
	_ =	strace $0xD0000000  }
0x3: {  	_ = 	snop  }
0x4: {  	_ = 	snop  }
0x5: {  	_ = 	snop  }
0x6: {  	_ = 	snop  }
0x7: {  	_ = 	snop  }
__scs_overlays_trampoline_lowered:
0x8: {  	[smem:$0x3FA9] =	sst s0  }
0x9: {  	[smem:$0x3FAA] =	sst s1  }
0xa: {  	[smem:$0x3FAB] =	sst s2  }
0xb: {  	[smem:$0x3FAC] =	sst s3  }
0xc: {  	[smem:$0x3FAD] =	sst s4  }
0xd: {  	[smem:$0x3FAE] =	sst s5  }
0xe: {  	[smem:$0x3FAF] =	sst s6  }
0xf: {  	[smem:$0x3FB0] =	sst s7  }
0x10: {  	[smem:$0x3FB1] =	sst s8  }
0x11: {  	[smem:$0x3FB2] =	sst s9;
	s0 =	simm.s32 @!p0 $0x0  }
0x12: {  	s1 =	sld [smem:$0x3F98];
	s0 =	simm.s32 @p0 $0x1  }
0x13: {  	[smem:$0x3FB3] =	sst s0;
	s0 =	simm.s32 @!p1 $0x0  }
0x14: {  	s2 =	sld [smem:$0x3F97];
	s0 =	simm.s32 @p1 $0x1  }
0x15: {  	[smem:$0x3FB4] =	sst s0;
	s0 =	simm.s32 @!p2 $0x0  }
0x16: {  	s3 =	sld [smem:$0x3FDB];
	s0 =	simm.s32 @p2 $0x1  }
0x17: {  	s4 =	simm.s32 $0x1BF5;
	[smem:$0x3FB6] =	sst s0  }
0x18: {  	s0 =	sld [smem:$0x3F99];
	_ =	swait.ge [sflag:s4], $0x0  }
0x19: {  	s7 =	sld [smem:$0x3F9A]  }
0x1a: {  	s8 =	sadd.s32 $0xFFFFE003, lr  }
0x1b: {  	s9 =	sadd.s32 $0xFFFFFEF7, lr;
	s5 =	simm.s32 $0xFFFFFFFF;
	p2 =	slt.u32 s8, $0xFFFFF086  }
0x1c: {  	p1 =	slt.u32 s9, $0xF7A;
	s5 =	simm.s32 @!p2 $0x0  }
0x1d: {  	s5 =	simm.s32 @p1 $0x1;
	p0 =	seq.s32 s7, s2  }
0x1e: {  	s7 =	smul.u32 @!p0 $0xF7A, s2;
	p2 =	seq.s32 @!p0 s5, $0x0  }
0x1f: {  	s9 =	smul.u32 $0xF7A, s1;
	s8 =	simm.s32 @!p0 $0x1BF5;
	p2 =	por !p2, p0  }
0x20: {  	[sflag:s8] =	ssyncset.s32 @!p0 $0xFFFFF086;
	s6 =	sadd.s32 @!p0 s3, s7;
	s7 =	simm.s32 @!p0 $0x108  }
0x21: {  	s3 =	sadd.s32 s3, s9;
	s6 =	sadd.s32 @!p0 $0x88, s6;
	s7 =	simm.s32 @p2 $0x1082  }
0x22: {  	[simem:s7], [sflag:s8] =	dma.local @!p0 [hbm:s6], $0xF7A  }
0x23: {  	s9 =	sor.u32 $0xD0000000, s2;
	s6 =	simm.s32 $0x108;
	_ =	swait.ge @!p0 [sflag:s8], $0x0  }
0x24: {  	s3 =	sadd.s32 $0x88, s3;
	s6 =	simm.s32 @!p1 $0x1082;
	[sflag:s4] =	ssyncset.s32 $0xFFFFF086  }
0x25: {  	[simem:s6], [sflag:s4] =	dma.local [hbm:s3], $0xF7A  }
0x26: {  	[smem:$0x3F9A] =	sst s1;
	(tag) =	ssettag s2;
	_ =	strace s9  }
0x27: {  	s1 =	sld [smem:$0x3FAA]  }
0x28: {  	s2 =	sld [smem:$0x3FAB]  }
0x29: {  	s4 =	sld [smem:$0x3FAD]  }
0x2a: {  	p0 =	seq.s32 s5, $0x0;
	s5 =	sld [smem:$0x3FAE]  }
0x2b: {  	s6 =	sld [smem:$0x3FAF]  }
0x2c: {  	s7 =	sld [smem:$0x3FB0]  }
0x2d: {  	s3 =	simm.s32 $0x108;
	s8 =	sld [smem:$0x3FB1]  }
0x2e: {  	s3 =	simm.s32 @!p0 $0x1082;
	s9 =	sld [smem:$0x3FB2]  }
0x2f: {  	lr =	sadd.s32 s0, s3;
	s0 =	sld [smem:$0x3FA9]  }
0x30: {  	s3 =	sld [smem:$0x3FAC]  }
0x31: {  	[smem:$0x3FB5] =	sst s10  }
0x32: {  	s10 =	sld [smem:$0x3FB3];
	_ =	sdelay $0x3  }
0x33: {  	p0 =	seq.s32 s10, $0x1;
	s10 =	sld [smem:$0x3FB5];
	_ =	sdelay $0x3  }
0x34: {  	[smem:$0x3FB5] =	sst s10  }
0x35: {  	s10 =	sld [smem:$0x3FB4];
	_ =	sdelay $0x3  }
0x36: {  	p1 =	seq.s32 s10, $0x1;
	s10 =	sld [smem:$0x3FB5];
	_ =	sdelay $0x3  }
0x37: {  	[smem:$0x3FB5] =	sst s10  }
0x38: {  	s10 =	sld [smem:$0x3FB6]  }
0x39: {  	_ = 	snop;
	(pc) =	sbr.ind lr, $3  }
0x3a: {  	_ = 	snop  }
0x3b: {  	_ = 	snop  }
0x3c: {  	p2 =	seq.s32 s10, $0x1;
	s10 =	sld [smem:$0x3FB5]  }
0x3d: {  	_ =	shalt  }
0x3e: {  	_ =	shalt  }
0x3f: {  	_ =	shalt  }
0x40: {  	_ =	shalt  }
0x41: {  	_ =	shalt  }
0x42: {  	_ =	shalt  }
0x43: {  	_ =	shalt  }
0x44: {  	_ =	shalt  }
0x45: {  	_ =	shalt  }
0x46: {  	_ =	shalt  }
0x47: {  	_ =	shalt  }
0x48: {  	_ =	shalt  }
0x49: {  	_ =	shalt  }
0x4a: {  	_ =	shalt  }
0x4b: {  	_ =	shalt  }
0x4c: {  	_ =	shalt  }
0x4d: {  	_ =	shalt  }
0x4e: {  	_ =	shalt  }
0x4f: {  	_ =	shalt  }
0x50: {  	_ =	shalt  }
0x51: {  	_ =	shalt  }
0x52: {  	_ =	shalt  }
0x53: {  	_ =	shalt  }
0x54: {  	_ =	shalt  }
0x55: {  	_ =	shalt  }
0x56: {  	_ =	shalt  }
0x57: {  	_ =	shalt  }
0x58: {  	_ =	shalt  }
0x59: {  	_ =	shalt  }
0x5a: {  	_ =	shalt  }
0x5b: {  	_ =	shalt  }
0x5c: {  	_ =	shalt  }
0x5d: {  	_ =	shalt  }
0x5e: {  	_ =	shalt  }
0x5f: {  	_ =	shalt  }
0x60: {  	_ =	shalt  }
0x61: {  	_ =	shalt  }
0x62: {  	_ =	shalt  }
0x63: {  	_ =	shalt  }
0x64: {  	_ =	shalt  }
0x65: {  	_ =	shalt  }
0x66: {  	_ =	shalt  }
0x67: {  	_ =	shalt  }
0x68: {  	_ =	shalt  }
0x69: {  	_ =	shalt  }
0x6a: {  	_ =	shalt  }
0x6b: {  	_ =	shalt  }
0x6c: {  	_ =	shalt  }
0x6d: {  	_ =	shalt  }
0x6e: {  	_ =	shalt  }
0x6f: {  	_ =	shalt  }
0x70: {  	_ =	shalt  }
0x71: {  	_ =	shalt  }
0x72: {  	_ =	shalt  }
0x73: {  	_ =	shalt  }
0x74: {  	_ =	shalt  }
0x75: {  	_ =	shalt  }
0x76: {  	_ =	shalt  }
0x77: {  	_ =	shalt  }
0x78: {  	_ =	shalt  }
0x79: {  	_ =	shalt  }
0x7a: {  	_ =	shalt  }
0x7b: {  	_ =	shalt  }
0x7c: {  	_ =	shalt  }
0x7d: {  	_ =	shalt  }
0x7e: {  	_ =	shalt  }
0x7f: {  	_ =	shalt  }
0x80: {  	_ =	shalt  }
0x81: {  	_ =	shalt  }
0x82: {  	_ =	shalt  }
0x83: {  	_ =	shalt  }
0x84: {  	_ =	shalt  }
0x85: {  	_ =	shalt  }
0x86: {  	_ =	shalt  }
0x87: {  	_ =	shalt  }
.Lfunc_end0:
.L_simem_size_0:
called_computation.2_lowered:
.L_overlay_start_0:
0x88: {  	s2 =	sld [smem:$0x3FD9]  }
0x89: {  	s3 =	sld [smem:$0x3FFE];
	_ =	sdelay $0x1  }
0x8a: {  	s1 =	srdreg.scid  }
0x8b: {  	s0 =	sand.u32 $0x1, s1  }
0x8c: {  	s17 =	sshll.u32 s0, $0xA;
	s2 =	sadd.s32 s3, s2  }
0x8d: {  	s2 =	sadd.s32 s2, s17  }
0x8e: {  	[smem:$0x3FC1] =	sst s2  }
0x8f: {  	_ = 	snop  }
0x90: {  	s2 =	sld [smem:$0x3FD0];
	(tm) =	ssettm $0x1  }
0x91: {  	s18 =	sld [smem:$0x3FFB];
	_ =	sdelay $0x3  }
0x92: {  	_ =	strace s18  }
0x93: {  	s3 =	sld [smem:$0x3FFC];
	_ =	sdelay $0x3  }
0x94: {  	_ =	strace s3  }
0x95: {  	s3 =	sld [smem:$0x3FFD];
	_ =	sdelay $0x3  }
0x96: {  	_ =	strace s3  }
0x97: {  	_ =	strace $0x8FFFFFFF  }
0x98: {  	s19 =	sld [smem:$0x3FDB];
	_ =	sdelay $0x1  }
0x99: {  	s4 =	simm.s32 $_scs_section_size  }
0x9a: {  	s5 =	simm.s32 $_size__tile_overlayer_lowered;
	s6 =	simm.s32 $_tile_overlayer_lowered  }
0x9b: {  	s22 =	simm.s32 $0x1BFF;
	s21 =	sshll.u32 s6, $0x1;
	s3 =	sadd.s32 s4, s19  }
0x9c: {  	s7 =	simm.s32 $0x0;
	s20 =	sshll.u32 s5, $0x1;
	s5 =	sadd.s32 s21, s3  }
0x9d: {  	[timem:s7], [sflag:s22] =	dma.local [hbm:s5], s20  }
0x9e: {  	_ =	swait.ge [sflag:s22], s20  }
0x9f: {  	s4 =	ssub.s32 $0x0, s20;
	[sflag:s22] =	ssyncset.done $0x0  }
0xa0: {  	[sflag:s22] =	ssyncadd.s32 s4;
	_ =	sdelay $0x1  }
0xa1: {  	s23 =	simm.s32 $0x1B8B  }
0xa2: {  	_ =	swait.ge [sflag:s23], $0x1  }
0xa3: {  	[sflag:s23] =	ssyncset.done $0x0  }
0xa4: {  	s25 =	simm.s32 $0x1B8E;
	s24 =	sld [smem:$0x3FFE];
	[sflag:s23] =	ssyncadd.s32 $0xFFFFFFFF  }
0xa5: {  	s26 =	simm.s32 $execute0_lowered;
	[smem:$0x3FD2] =	sst s25  }
0xa6: {  	s5 =	sshll.u32 s26, $0x1;
	_ =	strace $0x8000004C;
	[dreg:$0x1] =	wrdreg $0xFFFFFFFF  }
0xa7: {  	s28 =	simm.s32 $_size_execute0_lowered;
	s3 =	sadd.s32 s3, s5;
	[dreg:$0x0] =	wrdreg $0x0  }
0xa8: {  	s5 =	sshll.u32 s28, $0x1;
	[dreg:$0x2] =	wrdreg s3  }
0xa9: {  	[dreg:$0x3] =	wrdreg s5  }
0xaa: {  	[dreg:$0x4] =	wrdreg $0xC0  }
0xab: {  	_ =	task [dreg:s7], $0x5FFFF  }
0xac: {  	[dreg:$0x1] =	wrdreg $0xFFFFFFFF  }
0xad: {  	[dreg:$0x0] =	wrdreg $0x60  }
0xae: {  	[dreg:$0x2] =	wrdreg s24  }
0xaf: {  	[dreg:$0x3] =	wrdreg s2  }
0xb0: {  	[dreg:$0x4] =	wrdreg $0x9  }
0xb1: {  	_ =	task.clear_ibuf [dreg:s7], $0x5FFFF;
	_ =	strace $0x9000004C  }
0xb2: {  	s29 =	simm.s32 $0x9;
	_ =	strace $0x8000004E  }
0xb3: {  	_ =	swait.ge [sflag:s29], $0x1  }
0xb4: {  	[sflag:s29] =	ssyncadd.s32 $0xFFFFFFFF  }
0xb5: {  	_ =	strace $0x9000004E  }
0xb6: {  	_ =	sfence  }
0xb7: {  	s30 =	sld [smem:$0x0];
	_ =	sdelay $0x2  }
0xb8: {  	s31 =	sshll.u32 s1, $0xD;
	s1 =	sshrl.u32 s1, $0x2  }
0xb9: {  	s3 =	sand.u32 $0x4000, s31;
	s1 =	sadd.s32 s1, s30  }
0xba: {  	s0 =	sor.u32 s3, s0;
	s1 =	sshll.u32 s1, $0x11  }
0xbb: {  	s0 =	sor.u32 s1, s0  }
0xbc: {  	s0 =	sadd.s32 $0x8F2B, s0  }
0xbd: {  	[sflag:s0] =	ssyncadd.remote.s32 $0x1  }
0xbe: {  	_ =	sfence.sel $0xFFFF  }
0xbf: {  	[dreg:$0x0] =	wrdreg $0xFFFFFFFF;
	(pc) =	sbr.abs _section_cstart, $3  }
0xc0: {  	[dreg:$0x1] =	wrdreg $0xFFFFFFFF  }
0xc1: {  	_ =	task.clear_ibuf [dreg:s7], $0x2FFFF;
	_ =	strace $0x9FFFFFFF  }
0xc2: {  	(tm) =	ssettm $0x7FFFFFFF  }
0xc3: {  	_ =	shalt  }
tec
execute0_lowered:
.L_overlay_start_1:
0x0: {  	(tag) =	ssettag $0x1  }
0x1: {  	s1 =	rddreg [dreg:$0x0];
	s3 =	srdreg.scid  }
0x2: {  	s0 =	stileid.u32;
	s2 =	rddreg [dreg:$0x1];
	s17 =	simm.s32 $0xD00  }
0x3: {  	s18 =	simm.s32 $0x1900;
	s19 =	simm.s32 $0x5900;
	s20 =	simm.s32 $0x1  }
0x4: {  	s21 =	simm.s32 $0x80;
	s22 =	simm.s32 $0x2;
	s12 =	smul.u32 $0xD0000, s0  }
0x5: {  	s23 =	simm.s32 $0xC00;
	s9 =	sand.u32 $0x1, s3;
	s29 =	smul.u32 $0xC0000, s0  }
0x6: {  	s24 =	simm.s32 $0xC80;
	s4 =	sshll.u32 s0, $0x1;
	s14 =	smul.u32 $0x68000, s9  }
0x7: {  	s28 =	simm.s32 $0x0;
	s5 =	sor.u32 s9, s4;
	s16 =	smul.u32 $0x60000, s9  }
0x8: {  	s3 =	simm.s32 $0x0;
	s15 =	sadd.s32 $0x335400, s1;
	s6 =	smul.u32 $0x1A0, s5  }
0x9: {  	[smem:$0x7FF] =	sst s3;
	s10 =	ssub.s32 $0x2, s9;
	s7 =	smul.u32 $0x180, s5  }
0xa: {  	s4 =	sadd.s32 $0x195400, s1;
	s8 =	smul.u32 $0xD000, s5;
	s26 =	sshrl.u32 s10, $0x1  }
0xb: {  	_ =	strace $0x8000004D;
	s11 =	smul.u32 $0xC000, s5;
	s13 =	ssub.s32 s10, s26  }
0xc: {  	s14 =	sadd.s32 s14, s12;
	s26 =	simm.s32 $0x1880;
	s25 =	sadd.s32 s6, s1  }
0xd: {  	s1 =	sadd.s32 s7, s1;
	s7 =	sadd.s32 s4, s8;
	s8 =	sadd.s32 s15, s11  }
0xe: {  	s11 =	smax.u32 s13, $0x1;
	s12 =	sadd.s32 $0xC000, s14;
	s13 =	sadd.s32 $0x8000, s14  }
0xf: {  	s5 =	sadd.s32 $0x192000, s25;
	s6 =	sadd.s32 $0x2200, s1;
	s9 =	sadd.s32 $0x800, s7  }
0x10: {  	s10 =	sadd.s32 $0x800, s8;
	s1 =	sadd.s32 s16, s29;
	s12 =	sshrl.u32 s12, $0x3  }
0x11: {  	s16 =	simm.s32 $0x3;
	s30 =	sor.u32 $0xC000, s1;
	s1 =	sor.u32 $0x8000, s1  }
0x12: {  	s25 =	simm.s32 $0x1800;
	s31 =	sshrl.u32 s30, $0x3;
	s1 =	sshrl.u32 s1, $0x3  }
0x13: {  	s12 =	sadd.s32 s12, s4;
	s14 =	sadd.s32 s31, s15;
	s15 =	sadd.s32 s1, s15  }
.LBB2_1:
0x14: {  	[tilespmem:s3], [sflag:$0x3] =	stream.linear.gather [hbm4b:s5+s3], $0xD00, $0x38;
	[tilespmem:$0x9900] =	vst v63  }
0x15: {  	_ =	swait.ge [sflag:s16], $0xD00  }
0x16: {  	[sflag:s16] =	ssyncset.done $0x0  }
0x17: {  	[sflag:s16] =	ssyncadd.s32 $0xFFFFF300  }
0x18: {  	[tilespmem:s17], [sflag:$0x3] =	stream.linear.gather [hbm4b:s6+s3], $0xC00, $0x38;
	[tilespmem:$0x9900] =	vst v63  }
0x19: {  	_ =	swait.ge [sflag:s16], $0xC00  }
0x1a: {  	[sflag:s16] =	ssyncset.done $0x0  }
0x1b: {  	[sflag:s16] =	ssyncadd.s32 $0xFFFFF400  }
0x1c: {  	[tilespmem:s18], [sflag:$0x1] =	stream.linear.gather [hbm4b:s7+s3], $0x4000, $0x38;
	[tilespmem:$0x9900] =	vst v63  }
0x1d: {  	_ = 	snop  }
0x1e: {  	[tilespmem:s19], [sflag:$0x2] =	stream.linear.gather [hbm4b:s9+s3], $0x4000, $0x38;
	[tilespmem:$0x9900] =	vst v63  }
0x1f: {  	_ =	swait.ge [sflag:s20], $0x4000  }
0x20: {  	[sflag:s20] =	ssyncset.done $0x0  }
0x21: {  	s1 =	simm.s32 $0x0;
	[sflag:s20] =	ssyncadd.s32 $0xFFFFC000  }
0x22: {  	[hbm4b:s2+s21] =	stream.indirect.scatter [tilespmem:s18], [sflag:$0x3], $0x80, s1, s21, $0xb8;
	[tilespmem:$0x9900] =	vst v63  }
0x23: {  	_ =	swait.ge [sflag:s16], $0x4000  }
0x24: {  	s0 =	sshrl.u32 s13, $0x3;
	[sflag:s16] =	ssyncset.done $0x0  }
0x25: {  	s1 =	sadd.s32 s4, s0;
	[sflag:s16] =	ssyncadd.s32 $0xFFFFC000  }
0x26: {  	[tilespmem:s18], [sflag:$0x1] =	stream.linear.gather [hbm4b:s1+s3], $0x4000, $0x38;
	[tilespmem:$0x9900] =	vst v63  }
0x27: {  	_ =	swait.ge [sflag:s22], $0x4000  }
0x28: {  	[sflag:s22] =	ssyncset.done $0x0  }
0x29: {  	[sflag:s22] =	ssyncadd.s32 $0xFFFFC000  }
0x2a: {  	[hbm4b:s2+s21] =	stream.indirect.scatter [tilespmem:s19], [sflag:$0x3], $0x80, s21, s21, $0xb8;
	[tilespmem:$0x9900] =	vst v63  }
0x2b: {  	_ =	swait.ge [sflag:s16], $0x4000  }
0x2c: {  	s29 =	simm.s32 $0x1000;
	s30 =	sadd.s32 $0x8000, s13;
	[sflag:s16] =	ssyncset.done $0x0  }
0x2d: {  	s31 =	simm.s32 $0x180;
	s1 =	sadd.s32 $0x0, s12;
	[sflag:s16] =	ssyncadd.s32 $0xFFFFC000  }
.LBB2_2:
0x2e: {  	[tilespmem:s19], [sflag:$0x2] =	stream.linear.gather [hbm4b:s1+s3], $0x4000, $0x38;
	[tilespmem:$0x9900] =	vst v63  }
0x2f: {  	s1 =	smov.u32 s29  }
0x30: {  	p0 =	sne.s32 s29, $0xB000;
	s29 =	sadd.s32 $0x1000, s29;
	_ =	swait.ge [sflag:s20], $0x4000  }
0x31: {  	[sflag:s20] =	ssyncset.done $0x0  }
0x32: {  	s0 =	sadd.s32 $0xFFFFFF80, s31;
	[sflag:s20] =	ssyncadd.s32 $0xFFFFC000  }
0x33: {  	[hbm4b:s2+s21] =	stream.indirect.scatter [tilespmem:s18], [sflag:$0x3], $0x80, s0, s21, $0xb8;
	[tilespmem:$0x9900] =	vst v63  }
0x34: {  	_ =	swait.ge [sflag:s16], $0x4000  }
0x35: {  	s0 =	sshrl.u32 s30, $0x3;
	[sflag:s16] =	ssyncset.done $0x0  }
0x36: {  	s0 =	sadd.s32 s4, s0;
	[sflag:s16] =	ssyncadd.s32 $0xFFFFC000  }
0x37: {  	[tilespmem:s18], [sflag:$0x1] =	stream.linear.gather [hbm4b:s0+s3], $0x4000, $0x38;
	[tilespmem:$0x9900] =	vst v63  }
0x38: {  	_ =	swait.ge [sflag:s22], $0x4000  }
0x39: {  	[sflag:s22] =	ssyncset.done $0x0  }
.Ltmp0:
0x3a: {  	[sflag:s22] =	ssyncadd.s32 $0xFFFFC000;
	(pc) =	sbr.rel @p0 .LBB2_2-.Ltmp0, $4  }
0x3b: {  	[hbm4b:s2+s21] =	stream.indirect.scatter [tilespmem:s19], [sflag:$0x3], $0x80, s31, s21, $0xb8;
	[tilespmem:$0x9900] =	vst v63  }
0x3c: {  	_ =	swait.ge [sflag:s16], $0x4000  }
0x3d: {  	s30 =	sadd.s32 $0x8000, s30;
	[sflag:s16] =	ssyncset.done $0x0  }
0x3e: {  	s1 =	sadd.s32 s1, s12;
	s31 =	sadd.s32 $0x100, s31;
	[sflag:s16] =	ssyncadd.s32 $0xFFFFC000  }
0x3f: {  	[tilespmem:s19], [sflag:$0x2] =	stream.linear.gather [hbm4b:s1+s3], $0x4000, $0x38;
	[tilespmem:$0x9900] =	vst v63  }
0x40: {  	_ =	swait.ge [sflag:s20], $0x4000  }
0x41: {  	[sflag:s20] =	ssyncset.done $0x0  }
0x42: {  	[sflag:s20] =	ssyncadd.s32 $0xFFFFC000  }
0x43: {  	[hbm4b:s2+s21] =	stream.indirect.scatter [tilespmem:s18], [sflag:$0x3], $0x80, s23, s21, $0xb8;
	[tilespmem:$0x9900] =	vst v63  }
0x44: {  	_ =	swait.ge [sflag:s16], $0x4000  }
0x45: {  	[sflag:s16] =	ssyncset.done $0x0  }
0x46: {  	[sflag:s16] =	ssyncadd.s32 $0xFFFFC000  }
0x47: {  	_ =	swait.ge [sflag:s22], $0x4000  }
0x48: {  	[sflag:s22] =	ssyncset.done $0x0  }
0x49: {  	[sflag:s22] =	ssyncadd.s32 $0xFFFFC000  }
0x4a: {  	[hbm4b:s2+s21] =	stream.indirect.scatter [tilespmem:s19], [sflag:$0x3], $0x80, s24, s21, $0xb8;
	[tilespmem:$0x9900] =	vst v63  }
0x4b: {  	_ =	swait.ge [sflag:s16], $0x4000  }
0x4c: {  	[sflag:s16] =	ssyncset.done $0x0  }
0x4d: {  	s0 =	simm.s32 $0x0;
	[sflag:s16] =	ssyncadd.s32 $0xFFFFC000  }
0x4e: {  	[tilespmem:s18], [sflag:$0x1] =	stream.linear.gather [hbm4b:s8+s0], $0x4000, $0x38;
	[tilespmem:$0x9900] =	vst v63  }
0x4f: {  	_ = 	snop  }
0x50: {  	[tilespmem:s19], [sflag:$0x2] =	stream.linear.gather [hbm4b:s10+s0], $0x4000, $0x38;
	[tilespmem:$0x9900] =	vst v63  }
0x51: {  	_ =	swait.ge [sflag:s20], $0x4000  }
0x52: {  	[sflag:s20] =	ssyncset.done $0x0  }
0x53: {  	s31 =	simm.s32 $0xD00;
	[sflag:s20] =	ssyncadd.s32 $0xFFFFC000  }
0x54: {  	[hbm4b:s2+s21] =	stream.indirect.scatter [tilespmem:s18], [sflag:$0x3], $0x80, s31, s21, $0xb8;
	[tilespmem:$0x9900] =	vst v63  }
0x55: {  	_ =	swait.ge [sflag:s16], $0x4000  }
0x56: {  	[sflag:s16] =	ssyncset.done $0x0  }
0x57: {  	s1 =	sadd.s32 $0x0, s15;
	[sflag:s16] =	ssyncadd.s32 $0xFFFFC000  }
0x58: {  	[tilespmem:s18], [sflag:$0x1] =	stream.linear.gather [hbm4b:s1+s3], $0x4000, $0x38;
	[tilespmem:$0x9900] =	vst v63  }
0x59: {  	_ =	swait.ge [sflag:s22], $0x4000  }
0x5a: {  	[sflag:s22] =	ssyncset.done $0x0  }
0x5b: {  	s31 =	simm.s32 $0xD80;
	[sflag:s22] =	ssyncadd.s32 $0xFFFFC000  }
0x5c: {  	[hbm4b:s2+s21] =	stream.indirect.scatter [tilespmem:s19], [sflag:$0x3], $0x80, s31, s21, $0xb8;
	[tilespmem:$0x9900] =	vst v63  }
0x5d: {  	_ =	swait.ge [sflag:s16], $0x4000  }
0x5e: {  	s29 =	simm.s32 $0x1000;
	[sflag:s16] =	ssyncset.done $0x0  }
0x5f: {  	s30 =	simm.s32 $0xE80;
	s1 =	sadd.s32 $0x0, s14;
	[sflag:s16] =	ssyncadd.s32 $0xFFFFC000  }
.LBB2_4:
0x60: {  	[tilespmem:s19], [sflag:$0x2] =	stream.linear.gather [hbm4b:s1+s3], $0x4000, $0x38;
	[tilespmem:$0x9900] =	vst v63  }
0x61: {  	s0 =	smov.u32 s29  }
0x62: {  	p0 =	sne.s32 s29, $0xA000;
	s29 =	sadd.s32 $0x1000, s29;
	_ =	swait.ge [sflag:s20], $0x4000  }
0x63: {  	[sflag:s20] =	ssyncset.done $0x0  }
0x64: {  	s1 =	sadd.s32 $0xFFFFFF80, s30;
	[sflag:s20] =	ssyncadd.s32 $0xFFFFC000  }
0x65: {  	[hbm4b:s2+s21] =	stream.indirect.scatter [tilespmem:s18], [sflag:$0x3], $0x80, s1, s21, $0xb8;
	[tilespmem:$0x9900] =	vst v63  }
0x66: {  	_ =	swait.ge [sflag:s16], $0x4000  }
0x67: {  	[sflag:s16] =	ssyncset.done $0x0  }
0x68: {  	s1 =	sadd.s32 s0, s15;
	[sflag:s16] =	ssyncadd.s32 $0xFFFFC000  }
0x69: {  	[tilespmem:s18], [sflag:$0x1] =	stream.linear.gather [hbm4b:s1+s3], $0x4000, $0x38;
	[tilespmem:$0x9900] =	vst v63  }
0x6a: {  	_ =	swait.ge [sflag:s22], $0x4000  }
0x6b: {  	[sflag:s22] =	ssyncset.done $0x0  }
.Ltmp1:
0x6c: {  	[sflag:s22] =	ssyncadd.s32 $0xFFFFC000;
	(pc) =	sbr.rel @p0 .LBB2_4-.Ltmp1, $4  }
0x6d: {  	[hbm4b:s2+s21] =	stream.indirect.scatter [tilespmem:s19], [sflag:$0x3], $0x80, s30, s21, $0xb8;
	[tilespmem:$0x9900] =	vst v63  }
0x6e: {  	_ =	swait.ge [sflag:s16], $0x4000  }
0x6f: {  	[sflag:s16] =	ssyncset.done $0x0  }
0x70: {  	s1 =	sadd.s32 s0, s14;
	s30 =	sadd.s32 $0x100, s30;
	[sflag:s16] =	ssyncadd.s32 $0xFFFFC000  }
0x71: {  	[tilespmem:s19], [sflag:$0x2] =	stream.linear.gather [hbm4b:s1+s3], $0x4000, $0x38;
	[tilespmem:$0x9900] =	vst v63  }
0x72: {  	_ =	swait.ge [sflag:s20], $0x4000  }
0x73: {  	[sflag:s20] =	ssyncset.done $0x0  }
0x74: {  	[sflag:s20] =	ssyncadd.s32 $0xFFFFC000  }
0x75: {  	[hbm4b:s2+s21] =	stream.indirect.scatter [tilespmem:s18], [sflag:$0x3], $0x80, s25, s21, $0xb8;
	[tilespmem:$0x9900] =	vst v63  }
0x76: {  	_ =	swait.ge [sflag:s16], $0x4000  }
0x77: {  	[sflag:s16] =	ssyncset.done $0x0  }
0x78: {  	[sflag:s16] =	ssyncadd.s32 $0xFFFFC000  }
0x79: {  	s28 =	sadd.s32 $0x1, s28;
	_ =	swait.ge [sflag:s22], $0x4000  }
0x7a: {  	p0 =	sne.s32 s28, s11;
	[sflag:s22] =	ssyncset.done $0x0  }
.Ltmp2:
0x7b: {  	[sflag:s22] =	ssyncadd.s32 $0xFFFFC000;
	(pc) =	sbr.rel @p0 .LBB2_1-.Ltmp2, $4  }
0x7c: {  	[hbm4b:s2+s21] =	stream.indirect.scatter [tilespmem:s19], [sflag:$0x3], $0x80, s26, s21, $0xb8;
	[tilespmem:$0x9900] =	vst v63  }
0x7d: {  	_ =	swait.ge [sflag:s16], $0x4000  }
0x7e: {  	[sflag:s16] =	ssyncset.done $0x0  }
0x7f: {  	[sflag:s16] =	ssyncadd.s32 $0xFFFFC000  }
0x80: {  	_ =	sfence.sel $0x180000  }
0x81: {  	[bflag:$0x0] =	sbarrier.arrive $0xFFFF  }
0x82: {  	_ =	strace $0x9000004D  }
0x83: {  	s0 =	stileid.u32;
	[bflag:$0x2] =	sbarrier.arrive $0xFFFF  }
0x84: {  	p0 =	sne.s32 s0, $0x0;
	s0 =	rddreg [dreg:$0x2]  }
0x85: {  	s0 =	sadd.s32 @!p0 $0x100000, s0  }
0x86: {  	[sflag:s0] =	ssyncadd.tile.s32 @!p0 $0x1;
	_ =	shalt  }
.Lfunc_end2:
_tile_overlayer_lowered:
.L_overlay_start_2:
0x87: {  	(tag) =	ssettag $0x2  }
0x88: {  	s0 =	rddreg [dreg:$0x0];
	s2 =	stileid.u32  }
0x89: {  	s1 =	rddreg [dreg:$0x1];
	p0 =	sne.s32 s2, $0x0  }
0x8a: {  	s3 =	rddreg [dreg:$0x2];
	[bflag:$0x3] =	sbarrier.arrive $0xFFFF;
	s2 =	simm.s32 @!p0 $0x1C03  }
0x8b: {  	[timem:s3], [sflag:s2] =	dma.local @!p0 [hbm:s0], s1  }
0x8c: {  	s0 =	simm.s32 @!p0 $0x3  }
0x8d: {  	_ =	swait.ge @!p0 [sflag:s0], s1  }
0x8e: {  	s1 =	ssub.s32 @!p0 $0x0, s1;
	[sflag:s0] =	ssyncset.done @!p0 $0x0  }
0x8f: {  	[sflag:s0] =	ssyncadd.s32 @!p0 s1  }
0x90: {  	[bflag:$0x3] =	sbarrier.arrive $0xFFFF  }
0x91: {  	_ =	shalt  }

// kernel: kernel.7.cloned.1.call-start
scs
__scs_entry_jumppad:
0x0: {  	(pc) =	sbr.rel $0x88, $3  }
0x1: {  	(tag) =	ssettag $0x0;
	lr =	simm.s32 $0x1  }
0x2: {  	[smem:$0x3F9A] =	sst lr;
	_ =	strace $0xD0000000  }
0x3: {  	_ = 	snop  }
0x4: {  	_ = 	snop  }
0x5: {  	_ = 	snop  }
0x6: {  	_ = 	snop  }
0x7: {  	_ = 	snop  }
__scs_overlays_trampoline_lowered:
0x8: {  	[smem:$0x3FA9] =	sst s0  }
0x9: {  	[smem:$0x3FAA] =	sst s1  }
0xa: {  	[smem:$0x3FAB] =	sst s2  }
0xb: {  	[smem:$0x3FAC] =	sst s3  }
0xc: {  	[smem:$0x3FAD] =	sst s4  }
0xd: {  	[smem:$0x3FAE] =	sst s5  }
0xe: {  	[smem:$0x3FAF] =	sst s6  }
0xf: {  	[smem:$0x3FB0] =	sst s7  }
0x10: {  	[smem:$0x3FB1] =	sst s8  }
0x11: {  	[smem:$0x3FB2] =	sst s9;
	s0 =	simm.s32 @!p0 $0x0  }
0x12: {  	s1 =	sld [smem:$0x3F98];
	s0 =	simm.s32 @p0 $0x1  }
0x13: {  	[smem:$0x3FB3] =	sst s0;
	s0 =	simm.s32 @!p1 $0x0  }
0x14: {  	s2 =	sld [smem:$0x3F97];
	s0 =	simm.s32 @p1 $0x1  }
0x15: {  	[smem:$0x3FB4] =	sst s0;
	s0 =	simm.s32 @!p2 $0x0  }
0x16: {  	s3 =	sld [smem:$0x3FDB];
	s0 =	simm.s32 @p2 $0x1  }
0x17: {  	s4 =	simm.s32 $0x1BF5;
	[smem:$0x3FB6] =	sst s0  }
0x18: {  	s0 =	sld [smem:$0x3F99];
	_ =	swait.ge [sflag:s4], $0x0  }
0x19: {  	s7 =	sld [smem:$0x3F9A]  }
0x1a: {  	s8 =	sadd.s32 $0xFFFFE003, lr  }
0x1b: {  	s9 =	sadd.s32 $0xFFFFFEF7, lr;
	s5 =	simm.s32 $0xFFFFFFFF;
	p2 =	slt.u32 s8, $0xFFFFF086  }
0x1c: {  	p1 =	slt.u32 s9, $0xF7A;
	s5 =	simm.s32 @!p2 $0x0  }
0x1d: {  	s5 =	simm.s32 @p1 $0x1;
	p0 =	seq.s32 s7, s2  }
0x1e: {  	s7 =	smul.u32 @!p0 $0xF7A, s2;
	p2 =	seq.s32 @!p0 s5, $0x0  }
0x1f: {  	s9 =	smul.u32 $0xF7A, s1;
	s8 =	simm.s32 @!p0 $0x1BF5;
	p2 =	por !p2, p0  }
0x20: {  	[sflag:s8] =	ssyncset.s32 @!p0 $0xFFFFF086;
	s6 =	sadd.s32 @!p0 s3, s7;
	s7 =	simm.s32 @!p0 $0x108  }
0x21: {  	s3 =	sadd.s32 s3, s9;
	s6 =	sadd.s32 @!p0 $0x88, s6;
	s7 =	simm.s32 @p2 $0x1082  }
0x22: {  	[simem:s7], [sflag:s8] =	dma.local @!p0 [hbm:s6], $0xF7A  }
0x23: {  	s9 =	sor.u32 $0xD0000000, s2;
	s6 =	simm.s32 $0x108;
	_ =	swait.ge @!p0 [sflag:s8], $0x0  }
0x24: {  	s3 =	sadd.s32 $0x88, s3;
	s6 =	simm.s32 @!p1 $0x1082;
	[sflag:s4] =	ssyncset.s32 $0xFFFFF086  }
0x25: {  	[simem:s6], [sflag:s4] =	dma.local [hbm:s3], $0xF7A  }
0x26: {  	[smem:$0x3F9A] =	sst s1;
	(tag) =	ssettag s2;
	_ =	strace s9  }
0x27: {  	s1 =	sld [smem:$0x3FAA]  }
0x28: {  	s2 =	sld [smem:$0x3FAB]  }
0x29: {  	s4 =	sld [smem:$0x3FAD]  }
0x2a: {  	p0 =	seq.s32 s5, $0x0;
	s5 =	sld [smem:$0x3FAE]  }
0x2b: {  	s6 =	sld [smem:$0x3FAF]  }
0x2c: {  	s7 =	sld [smem:$0x3FB0]  }
0x2d: {  	s3 =	simm.s32 $0x108;
	s8 =	sld [smem:$0x3FB1]  }
0x2e: {  	s3 =	simm.s32 @!p0 $0x1082;
	s9 =	sld [smem:$0x3FB2]  }
0x2f: {  	lr =	sadd.s32 s0, s3;
	s0 =	sld [smem:$0x3FA9]  }
0x30: {  	s3 =	sld [smem:$0x3FAC]  }
0x31: {  	[smem:$0x3FB5] =	sst s10  }
0x32: {  	s10 =	sld [smem:$0x3FB3];
	_ =	sdelay $0x3  }
0x33: {  	p0 =	seq.s32 s10, $0x1;
	s10 =	sld [smem:$0x3FB5];
	_ =	sdelay $0x3  }
0x34: {  	[smem:$0x3FB5] =	sst s10  }
0x35: {  	s10 =	sld [smem:$0x3FB4];
	_ =	sdelay $0x3  }
0x36: {  	p1 =	seq.s32 s10, $0x1;
	s10 =	sld [smem:$0x3FB5];
	_ =	sdelay $0x3  }
0x37: {  	[smem:$0x3FB5] =	sst s10  }
0x38: {  	s10 =	sld [smem:$0x3FB6]  }
0x39: {  	_ = 	snop;
	(pc) =	sbr.ind lr, $3  }
0x3a: {  	_ = 	snop  }
0x3b: {  	_ = 	snop  }
0x3c: {  	p2 =	seq.s32 s10, $0x1;
	s10 =	sld [smem:$0x3FB5]  }
0x3d: {  	_ =	shalt  }
0x3e: {  	_ =	shalt  }
0x3f: {  	_ =	shalt  }
0x40: {  	_ =	shalt  }
0x41: {  	_ =	shalt  }
0x42: {  	_ =	shalt  }
0x43: {  	_ =	shalt  }
0x44: {  	_ =	shalt  }
0x45: {  	_ =	shalt  }
0x46: {  	_ =	shalt  }
0x47: {  	_ =	shalt  }
0x48: {  	_ =	shalt  }
0x49: {  	_ =	shalt  }
0x4a: {  	_ =	shalt  }
0x4b: {  	_ =	shalt  }
0x4c: {  	_ =	shalt  }
0x4d: {  	_ =	shalt  }
0x4e: {  	_ =	shalt  }
0x4f: {  	_ =	shalt  }
0x50: {  	_ =	shalt  }
0x51: {  	_ =	shalt  }
0x52: {  	_ =	shalt  }
0x53: {  	_ =	shalt  }
0x54: {  	_ =	shalt  }
0x55: {  	_ =	shalt  }
0x56: {  	_ =	shalt  }
0x57: {  	_ =	shalt  }
0x58: {  	_ =	shalt  }
0x59: {  	_ =	shalt  }
0x5a: {  	_ =	shalt  }
0x5b: {  	_ =	shalt  }
0x5c: {  	_ =	shalt  }
0x5d: {  	_ =	shalt  }
0x5e: {  	_ =	shalt  }
0x5f: {  	_ =	shalt  }
0x60: {  	_ =	shalt  }
0x61: {  	_ =	shalt  }
0x62: {  	_ =	shalt  }
0x63: {  	_ =	shalt  }
0x64: {  	_ =	shalt  }
0x65: {  	_ =	shalt  }
0x66: {  	_ =	shalt  }
0x67: {  	_ =	shalt  }
0x68: {  	_ =	shalt  }
0x69: {  	_ =	shalt  }
0x6a: {  	_ =	shalt  }
0x6b: {  	_ =	shalt  }
0x6c: {  	_ =	shalt  }
0x6d: {  	_ =	shalt  }
0x6e: {  	_ =	shalt  }
0x6f: {  	_ =	shalt  }
0x70: {  	_ =	shalt  }
0x71: {  	_ =	shalt  }
0x72: {  	_ =	shalt  }
0x73: {  	_ =	shalt  }
0x74: {  	_ =	shalt  }
0x75: {  	_ =	shalt  }
0x76: {  	_ =	shalt  }
0x77: {  	_ =	shalt  }
0x78: {  	_ =	shalt  }
0x79: {  	_ =	shalt  }
0x7a: {  	_ =	shalt  }
0x7b: {  	_ =	shalt  }
0x7c: {  	_ =	shalt  }
0x7d: {  	_ =	shalt  }
0x7e: {  	_ =	shalt  }
0x7f: {  	_ =	shalt  }
0x80: {  	_ =	shalt  }
0x81: {  	_ =	shalt  }
0x82: {  	_ =	shalt  }
0x83: {  	_ =	shalt  }
0x84: {  	_ =	shalt  }
0x85: {  	_ =	shalt  }
0x86: {  	_ =	shalt  }
0x87: {  	_ =	shalt  }
.Lfunc_end0:
.L_simem_size_0:
called_computation_lowered:
.L_overlay_start_0:
0x88: {  	s2 =	sld [smem:$0x3FD9]  }
0x89: {  	s3 =	sld [smem:$0x3FFE];
	_ =	sdelay $0x1  }
0x8a: {  	s1 =	srdreg.scid  }
0x8b: {  	s0 =	sand.u32 $0x1, s1  }
0x8c: {  	s17 =	sshll.u32 s0, $0xA;
	s2 =	sadd.s32 s3, s2  }
0x8d: {  	s2 =	sadd.s32 s2, s17  }
0x8e: {  	[smem:$0x3FC1] =	sst s2  }
0x8f: {  	_ = 	snop  }
0x90: {  	s2 =	sld [smem:$0x3FD0];
	(tm) =	ssettm $0x1  }
0x91: {  	s18 =	sld [smem:$0x3FFB];
	_ =	sdelay $0x3  }
0x92: {  	_ =	strace s18  }
0x93: {  	s3 =	sld [smem:$0x3FFC];
	_ =	sdelay $0x3  }
0x94: {  	_ =	strace s3  }
0x95: {  	s3 =	sld [smem:$0x3FFD];
	_ =	sdelay $0x3  }
0x96: {  	_ =	strace s3  }
0x97: {  	_ =	strace $0x8FFFFFFF  }
0x98: {  	s19 =	sld [smem:$0x3FDB];
	_ =	sdelay $0x1  }
0x99: {  	s4 =	simm.s32 $_scs_section_size  }
0x9a: {  	s5 =	simm.s32 $_size__tile_overlayer_lowered;
	s6 =	simm.s32 $_tile_overlayer_lowered  }
0x9b: {  	s22 =	simm.s32 $0x1BFF;
	s21 =	sshll.u32 s6, $0x1;
	s3 =	sadd.s32 s4, s19  }
0x9c: {  	s7 =	simm.s32 $0x0;
	s20 =	sshll.u32 s5, $0x1;
	s5 =	sadd.s32 s21, s3  }
0x9d: {  	[timem:s7], [sflag:s22] =	dma.local [hbm:s5], s20  }
0x9e: {  	_ =	swait.ge [sflag:s22], s20  }
0x9f: {  	s4 =	ssub.s32 $0x0, s20;
	[sflag:s22] =	ssyncset.done $0x0  }
0xa0: {  	[sflag:s22] =	ssyncadd.s32 s4;
	_ =	sdelay $0x1  }
0xa1: {  	s23 =	simm.s32 $0x1B8B  }
0xa2: {  	_ =	swait.ge [sflag:s23], $0x1  }
0xa3: {  	[sflag:s23] =	ssyncset.done $0x0  }
0xa4: {  	s25 =	simm.s32 $0x1B8E;
	s24 =	sld [smem:$0x3FFE];
	[sflag:s23] =	ssyncadd.s32 $0xFFFFFFFF  }
0xa5: {  	s26 =	simm.s32 $execute0_lowered;
	[smem:$0x3FD2] =	sst s25  }
0xa6: {  	s5 =	sshll.u32 s26, $0x1;
	_ =	strace $0x80000046;
	[dreg:$0x1] =	wrdreg $0xFFFFFFFF  }
0xa7: {  	s28 =	simm.s32 $_size_execute0_lowered;
	s3 =	sadd.s32 s3, s5;
	[dreg:$0x0] =	wrdreg $0x0  }
0xa8: {  	s5 =	sshll.u32 s28, $0x1;
	[dreg:$0x2] =	wrdreg s3  }
0xa9: {  	[dreg:$0x3] =	wrdreg s5  }
0xaa: {  	[dreg:$0x4] =	wrdreg $0xC0  }
0xab: {  	_ =	task [dreg:s7], $0x5FFFF  }
0xac: {  	[dreg:$0x1] =	wrdreg $0xFFFFFFFF  }
0xad: {  	[dreg:$0x0] =	wrdreg $0x60  }
0xae: {  	[dreg:$0x2] =	wrdreg s24  }
0xaf: {  	[dreg:$0x3] =	wrdreg s2  }
0xb0: {  	[dreg:$0x4] =	wrdreg $0x9  }
0xb1: {  	_ =	task.clear_ibuf [dreg:s7], $0x5FFFF;
	_ =	strace $0x90000046  }
0xb2: {  	s29 =	simm.s32 $0x9;
	_ =	strace $0x80000048  }
0xb3: {  	_ =	swait.ge [sflag:s29], $0x1  }
0xb4: {  	[sflag:s29] =	ssyncadd.s32 $0xFFFFFFFF  }
0xb5: {  	_ =	strace $0x90000048  }
0xb6: {  	_ =	sfence  }
0xb7: {  	s30 =	sld [smem:$0x0];
	_ =	sdelay $0x2  }
0xb8: {  	s31 =	sshll.u32 s1, $0xD;
	s1 =	sshrl.u32 s1, $0x2  }
0xb9: {  	s3 =	sand.u32 $0x4000, s31;
	s1 =	sadd.s32 s1, s30  }
0xba: {  	s0 =	sor.u32 s3, s0;
	s1 =	sshll.u32 s1, $0x11  }
0xbb: {  	s0 =	sor.u32 s1, s0  }
0xbc: {  	s0 =	sadd.s32 $0x8F2B, s0  }
0xbd: {  	[sflag:s0] =	ssyncadd.remote.s32 $0x1  }
0xbe: {  	_ =	sfence.sel $0xFFFF  }
0xbf: {  	[dreg:$0x0] =	wrdreg $0xFFFFFFFF;
	(pc) =	sbr.abs _section_cstart, $3  }
0xc0: {  	[dreg:$0x1] =	wrdreg $0xFFFFFFFF  }
0xc1: {  	_ =	task.clear_ibuf [dreg:s7], $0x2FFFF;
	_ =	strace $0x9FFFFFFF  }
0xc2: {  	(tm) =	ssettm $0x7FFFFFFF  }
0xc3: {  	_ =	shalt  }
tec
execute0_lowered:
.L_overlay_start_1:
0x0: {  	(tag) =	ssettag $0x1  }
0x1: {  	s1 =	srdreg.scid  }
0x2: {  	s0 =	stileid.u32;
	s4 =	rddreg [dreg:$0x0]  }
0x3: {  	s2 =	rddreg [dreg:$0x1];
	s3 =	simm.s32 $0x0;
	s8 =	simm.s32 $0x3  }
0x4: {  	s9 =	simm.s32 $0xD00;
	s10 =	simm.s32 $0x80;
	s11 =	simm.s32 $0x1A00  }
0x5: {  	s12 =	simm.s32 $0x3A00;
	s13 =	simm.s32 $0x1;
	s14 =	simm.s32 $0x2  }
0x6: {  	s15 =	simm.s32 $0x1900;
	s5 =	sand.u32 $0x1, s1;
	s31 =	sshll.u32 s0, $0x1  }
0x7: {  	s16 =	simm.s32 $0x1980;
	s17 =	simm.s32 $0x0;
	s6 =	sor.u32 s5, s31  }
0x8: {  	[smem:$0x7FF] =	sst s3;
	s5 =	ssub.s32 $0x2, s5;
	s6 =	smul.u32 $0x1A0, s6  }
0x9: {  	s1 =	rddreg [dreg:$0x2];
	_ =	strace $0x80000047;
	s7 =	sshrl.u32 s5, $0x1  }
0xa: {  	s7 =	ssub.s32 s5, s7;
	s6 =	sadd.s32 s6, s4;
	s4 =	sadd.s32 $0x8A00, s4  }
0xb: {  	s7 =	smax.u32 s7, $0x1;
	s5 =	sadd.s32 $0x5600, s6;
	s6 =	sadd.s32 $0x2200, s6  }
.LBB2_1:
0xc: {  	[tilespmem:s3], [sflag:$0x3] =	stream.linear.gather [hbm4b:s5+s3], $0xD00, $0x38;
	[tilespmem:$0x5A00] =	vst v63  }
0xd: {  	_ =	swait.ge [sflag:s8], $0xD00  }
0xe: {  	[sflag:s8] =	ssyncset.done $0x0  }
0xf: {  	[sflag:s8] =	ssyncadd.s32 $0xFFFFF300  }
0x10: {  	[tilespmem:s9], [sflag:$0x3] =	stream.linear.gather [hbm4b:s6+s3], $0xD00, $0x38;
	[tilespmem:$0x5A00] =	vst v63  }
0x11: {  	_ =	swait.ge [sflag:s8], $0xD00  }
0x12: {  	[sflag:s8] =	ssyncset.done $0x0  }
0x13: {  	[sflag:s8] =	ssyncadd.s32 $0xFFFFF300  }
0x14: {  	[tilespmem:s11], [sflag:$0x1] =	stream.indirect.gather [hbm4b:s4+s10], $0x40, s3, s10, $0xb8;
	[tilespmem:$0x5A00] =	vst v63  }
0x15: {  	_ = 	snop  }
0x16: {  	[tilespmem:s12], [sflag:$0x2] =	stream.indirect.gather [hbm4b:s4+s10], $0x40, s10, s10, $0xb8;
	[tilespmem:$0x5A00] =	vst v63  }
0x17: {  	_ =	swait.ge [sflag:s13], $0x2000  }
0x18: {  	[sflag:s13] =	ssyncset.done $0x0  }
0x19: {  	s18 =	simm.s32 $0xD00;
	[sflag:s13] =	ssyncadd.s32 $0xFFFFE000  }
0x1a: {  	[hbm4b:s2+s10] =	stream.indirect.scatter [tilespmem:s11], [sflag:$0x3], $0x40, s18, s10, $0xb8;
	[tilespmem:$0x5A00] =	vst v63  }
0x1b: {  	_ =	swait.ge [sflag:s8], $0x2000  }
0x1c: {  	[sflag:s8] =	ssyncset.done $0x0  }
0x1d: {  	s30 =	simm.s32 $0x100;
	[sflag:s8] =	ssyncadd.s32 $0xFFFFE000  }
0x1e: {  	[tilespmem:s11], [sflag:$0x1] =	stream.indirect.gather [hbm4b:s4+s10], $0x40, s30, s10, $0xb8;
	[tilespmem:$0x5A00] =	vst v63  }
0x1f: {  	_ =	swait.ge [sflag:s14], $0x2000  }
0x20: {  	[sflag:s14] =	ssyncset.done $0x0  }
0x21: {  	s31 =	simm.s32 $0xD80;
	[sflag:s14] =	ssyncadd.s32 $0xFFFFE000  }
0x22: {  	[hbm4b:s2+s10] =	stream.indirect.scatter [tilespmem:s12], [sflag:$0x3], $0x40, s31, s10, $0xb8;
	[tilespmem:$0x5A00] =	vst v63  }
0x23: {  	_ =	swait.ge [sflag:s8], $0x2000  }
0x24: {  	[sflag:s8] =	ssyncset.done $0x0  }
0x25: {  	s19 =	simm.s32 $0x180;
	s18 =	simm.s32 $0x400;
	[sflag:s8] =	ssyncadd.s32 $0xFFFFE000  }
.LBB2_2:
0x26: {  	[tilespmem:s12], [sflag:$0x2] =	stream.indirect.gather [hbm4b:s4+s10], $0x40, s19, s10, $0xb8;
	[tilespmem:$0x5A00] =	vst v63  }
0x27: {  	s19 =	smov.u32 s18  }
0x28: {  	p0 =	sne.s32 s18, $0x2C00;
	s18 =	sadd.s32 $0x400, s18;
	_ =	swait.ge [sflag:s13], $0x2000  }
0x29: {  	s19 =	sshra.s32 s19, $0x2;
	[sflag:s13] =	ssyncset.done $0x0  }
0x2a: {  	s20 =	sadd.s32 $0xD00, s19;
	[sflag:s13] =	ssyncadd.s32 $0xFFFFE000  }
0x2b: {  	[hbm4b:s2+s10] =	stream.indirect.scatter [tilespmem:s11], [sflag:$0x3], $0x40, s20, s10, $0xb8;
	[tilespmem:$0x5A00] =	vst v63  }
0x2c: {  	_ =	swait.ge [sflag:s8], $0x2000  }
0x2d: {  	[sflag:s8] =	ssyncset.done $0x0  }
0x2e: {  	s20 =	sadd.s32 $0x100, s19;
	[sflag:s8] =	ssyncadd.s32 $0xFFFFE000  }
0x2f: {  	[tilespmem:s11], [sflag:$0x1] =	stream.indirect.gather [hbm4b:s4+s10], $0x40, s20, s10, $0xb8;
	[tilespmem:$0x5A00] =	vst v63  }
0x30: {  	_ =	swait.ge [sflag:s14], $0x2000  }
0x31: {  	[sflag:s14] =	ssyncset.done $0x0  }
.Ltmp0:
0x32: {  	s20 =	sadd.s32 $0xD80, s19;
	[sflag:s14] =	ssyncadd.s32 $0xFFFFE000;
	(pc) =	sbr.rel @p0 .LBB2_2-.Ltmp0, $4  }
0x33: {  	[hbm4b:s2+s10] =	stream.indirect.scatter [tilespmem:s12], [sflag:$0x3], $0x40, s20, s10, $0xb8;
	[tilespmem:$0x5A00] =	vst v63  }
0x34: {  	_ =	swait.ge [sflag:s8], $0x2000  }
0x35: {  	[sflag:s8] =	ssyncset.done $0x0  }
0x36: {  	s19 =	sadd.s32 $0x180, s19;
	[sflag:s8] =	ssyncadd.s32 $0xFFFFE000  }
0x37: {  	[tilespmem:s12], [sflag:$0x2] =	stream.indirect.gather [hbm4b:s4+s10], $0x40, s19, s10, $0xb8;
	[tilespmem:$0x5A00] =	vst v63  }
0x38: {  	_ =	swait.ge [sflag:s13], $0x2000  }
0x39: {  	[sflag:s13] =	ssyncset.done $0x0  }
0x3a: {  	[sflag:s13] =	ssyncadd.s32 $0xFFFFE000  }
0x3b: {  	[hbm4b:s2+s10] =	stream.indirect.scatter [tilespmem:s11], [sflag:$0x3], $0x40, s15, s10, $0xb8;
	[tilespmem:$0x5A00] =	vst v63  }
0x3c: {  	_ =	swait.ge [sflag:s8], $0x2000  }
0x3d: {  	[sflag:s8] =	ssyncset.done $0x0  }
0x3e: {  	[sflag:s8] =	ssyncadd.s32 $0xFFFFE000  }
0x3f: {  	s17 =	sadd.s32 $0x1, s17;
	_ =	swait.ge [sflag:s14], $0x2000  }
0x40: {  	p0 =	sne.s32 s17, s7;
	[sflag:s14] =	ssyncset.done $0x0  }
.Ltmp1:
0x41: {  	[sflag:s14] =	ssyncadd.s32 $0xFFFFE000;
	(pc) =	sbr.rel @p0 .LBB2_1-.Ltmp1, $4  }
0x42: {  	[hbm4b:s2+s10] =	stream.indirect.scatter [tilespmem:s12], [sflag:$0x3], $0x40, s16, s10, $0xb8;
	[tilespmem:$0x5A00] =	vst v63  }
0x43: {  	_ =	swait.ge [sflag:s8], $0x2000  }
0x44: {  	[sflag:s8] =	ssyncset.done $0x0  }
0x45: {  	[sflag:s8] =	ssyncadd.s32 $0xFFFFE000  }
0x46: {  	_ =	sfence.sel $0x180000  }
0x47: {  	[bflag:$0x0] =	sbarrier.arrive $0xFFFF  }
0x48: {  	p0 =	sne.s32 s0, $0x0;
	_ =	strace $0x90000047  }
0x49: {  	s0 =	sadd.s32 @!p0 $0x100000, s1;
	[bflag:$0x2] =	sbarrier.arrive $0xFFFF  }
0x4a: {  	[sflag:s0] =	ssyncadd.tile.s32 @!p0 $0x1;
	_ =	shalt  }
.Lfunc_end2:
_tile_overlayer_lowered:
.L_overlay_start_2:
0x4b: {  	(tag) =	ssettag $0x2  }
0x4c: {  	s0 =	rddreg [dreg:$0x0];
	s2 =	stileid.u32  }
0x4d: {  	s1 =	rddreg [dreg:$0x1];
	p0 =	sne.s32 s2, $0x0  }
0x4e: {  	s3 =	rddreg [dreg:$0x2];
	[bflag:$0x3] =	sbarrier.arrive $0xFFFF;
	s2 =	simm.s32 @!p0 $0x1C03  }
0x4f: {  	[timem:s3], [sflag:s2] =	dma.local @!p0 [hbm:s0], s1  }
0x50: {  	s0 =	simm.s32 @!p0 $0x3  }
0x51: {  	_ =	swait.ge @!p0 [sflag:s0], s1  }
0x52: {  	s1 =	ssub.s32 @!p0 $0x0, s1;
	[sflag:s0] =	ssyncset.done @!p0 $0x0  }
0x53: {  	[sflag:s0] =	ssyncadd.s32 @!p0 s1  }
0x54: {  	[bflag:$0x3] =	sbarrier.arrive $0xFFFF  }
0x55: {  	_ =	shalt  }

</sc_bundles>
